<compile_context>
chip_gen: v7x
topology: tpu7x:2x2x1
jax: 0.10.2.dev20260603
libtpu: 0.0.44.dev20260713+nightly
codegen_flags: <defaults>
</compile_context>

<pallas_src>
import functools

import jax
import jax.numpy as jnp
from jax import lax
from jax.experimental import pallas as pl
from jax.experimental.pallas import tpu as pltpu
from jax.experimental.pallas import tpu_sc as plsc

_EMB_DIM = 64
_G = 128
_NSLOT = 8


@functools.lru_cache(maxsize=None)
def _build(total: int):
    info = plsc.get_sparse_core_info()
    nw = info.num_cores * info.num_subcores
    per_w = total // nw
    n_chunks = per_w // _G
    n_rounds = n_chunks // _NSLOT
    assert per_w % _G == 0 and n_chunks % _NSLOT == 0 and n_rounds >= 2

    mesh = plsc.VectorSubcoreMesh(core_axis_name="c", subcore_axis_name="s")

    @functools.partial(
        pl.kernel,
        mesh=mesh,
        out_type=jax.ShapeDtypeStruct((total, _EMB_DIM), jnp.float32),
        scratch_types=(
            [pltpu.VMEM((per_w,), jnp.int32)]
            + [pltpu.VMEM((_G, _EMB_DIM), jnp.float32) for _ in range(_NSLOT)]
            + [pltpu.SemaphoreType.DMA for _ in range(_NSLOT)]
        ),
        compiler_params=pltpu.CompilerParams(use_tc_tiling_on_sc=False),
    )
    def gather_kernel(idx_hbm, table_hbm, out_hbm, idx_v, *rest):
        slots = rest[:_NSLOT]
        gsems = rest[_NSLOT:]
        wid = lax.axis_index("s") * info.num_cores + lax.axis_index("c")
        base = wid * per_w

        pltpu.sync_copy(idx_hbm.at[pl.ds(base, per_w)], idx_v)

        def fire(c, s):
            pltpu.async_copy(
                table_hbm.at[idx_v.at[pl.ds(c * _G, _G)]], slots[s], gsems[s]
            )

        def drain(s):
            pltpu.make_async_copy(
                table_hbm.at[idx_v.at[pl.ds(0, _G)]], slots[s], gsems[s]
            ).wait()

        for s in range(_NSLOT):
            fire(s, s)

        def round_body(r, carry):
            for s in range(_NSLOT):
                c = r * _NSLOT + s
                drain(s)
                pltpu.sync_copy(slots[s], out_hbm.at[pl.ds(base + c * _G, _G)])
                fire(c + _NSLOT, s)
            return carry

        lax.fori_loop(0, n_rounds - 1, round_body, 0)

        for s in range(_NSLOT):
            c = (n_rounds - 1) * _NSLOT + s
            drain(s)
            pltpu.sync_copy(slots[s], out_hbm.at[pl.ds(base + c * _G, _G)])

    return gather_kernel


def kernel(x, m, W):
    b, f = x.shape
    total = b * f
    idx = x.reshape(total).astype(jnp.int32)
    out = _build(total)(idx, W)
    return out.reshape(b, f, _EMB_DIM)

# --- scband reference (transcript-rebuilt; emitter-appended) ---
"""Pipeline reference for scband-generate-adjacency-matrix-75213467288180 (READ-ONLY COPY).

The authoritative reference and input builder live on the scoring server;
editing this copy changes nothing except your own understanding.
"""

import jax, jax.numpy as jnp
import numpy as np

NODE_NUM = 1000000
EMB_DIM = 64
B = 16384
F = 26

def setup_inputs(seed: int = 0) -> dict:
    key = jax.random.key(seed)
    k1, k2 = jax.random.split(key)
    x = jax.random.randint(k1, (B, F), 0, NODE_NUM, dtype=jnp.int64) if jax.config.jax_enable_x64 else jax.random.randint(k1, (B, F), 0, NODE_NUM, dtype=jnp.int32)
    # nn.Embedding default init: N(0, 1)
    W = jax.random.normal(k2, (NODE_NUM, EMB_DIM), dtype=jnp.float32)
    m = 0
    return {"x": x, "m": m, "W": W}

def reference(x, m, W):
    # output_type != 0 path: plain embedding lookup
    out_vector = jnp.take(W, x, axis=0)
    return out_vector

if __name__ == "__main__":
    import jax
    _d = setup_inputs()
    print(jax.jit(kernel)(*tuple(_d.values())))

</pallas_src>

<mosaic_0001>
#map = affine_map<(d0, d1) -> (0)>
#map1 = affine_map<(d0, d1) -> (0, 0)>
module attributes {stable_mosaic.version = 14 : i64} {
  func.func @gather_kernel(%arg0: i32, %arg1: i32, %arg2: memref<425984xi32, #tpu.memory_space<hbm>>, %arg3: memref<1000000x64xf32, #tpu.memory_space<hbm>>, %arg4: memref<425984x64xf32, #tpu.memory_space<hbm>>, %arg5: memref<13312xi32, #tpu.memory_space<vmem>>, %arg6: memref<128x64xf32, #tpu.memory_space<vmem>>, %arg7: memref<128x64xf32, #tpu.memory_space<vmem>>, %arg8: memref<128x64xf32, #tpu.memory_space<vmem>>, %arg9: memref<128x64xf32, #tpu.memory_space<vmem>>, %arg10: memref<128x64xf32, #tpu.memory_space<vmem>>, %arg11: memref<128x64xf32, #tpu.memory_space<vmem>>, %arg12: memref<128x64xf32, #tpu.memory_space<vmem>>, %arg13: memref<128x64xf32, #tpu.memory_space<vmem>>, %arg14: memref<!tpu.dma_semaphore, #tpu.memory_space<semaphore_mem>>, %arg15: memref<!tpu.dma_semaphore, #tpu.memory_space<semaphore_mem>>, %arg16: memref<!tpu.dma_semaphore, #tpu.memory_space<semaphore_mem>>, %arg17: memref<!tpu.dma_semaphore, #tpu.memory_space<semaphore_mem>>, %arg18: memref<!tpu.dma_semaphore, #tpu.memory_space<semaphore_mem>>, %arg19: memref<!tpu.dma_semaphore, #tpu.memory_space<semaphore_mem>>, %arg20: memref<!tpu.dma_semaphore, #tpu.memory_space<semaphore_mem>>, %arg21: memref<!tpu.dma_semaphore, #tpu.memory_space<semaphore_mem>>) attributes {dimension_semantics = [#tpu.dimension_semantics<core_parallel>, #tpu.dimension_semantics<subcore_parallel>], iteration_bounds = array<i64: 2, 16>, scalar_prefetch = 0 : i64, scratch_operands = 17 : i64, tpu.core_type = #tpu.core_type<sc_vector_subcore>, window_params = [{transform_indices = #map}, {transform_indices = #map1}, {transform_indices = #map1}]} {
    %mul3A = arith.constant 2 : i32
    %mul3A_0 = arith.muli %arg1, %mul3A : i32
    %add3A = arith.addi %mul3A_0, %arg0 : i32
    %mul3A_1 = arith.constant 13312 : i32
    %mul3A_2 = arith.muli %add3A, %mul3A_1 : i32
    "tpu.region"() ({
      %run_scoped3A = tpu.sem_alloc : memref<!tpu.dma_semaphore, #tpu.memory_space<semaphore_mem>>
      %dma_start3A_102 = tpu.memref_slice %arg2[%mul3A_2] : memref<425984xi32, #tpu.memory_space<hbm>> -> memref<13312xi32, #tpu.memory_space<hbm>>
      %dma_start3A_103 = tpu.memref_slice %arg2[%mul3A_2] : memref<425984xi32, #tpu.memory_space<hbm>> -> memref<13312xi32, #tpu.memory_space<hbm>>
      tpu.enqueue_dma source(%dma_start3A_103 : memref<13312xi32, #tpu.memory_space<hbm>>) target(%arg5 : memref<13312xi32, #tpu.memory_space<vmem>>) target_semaphore(%run_scoped3A : memref<!tpu.dma_semaphore, #tpu.memory_space<semaphore_mem>>)
      %dma_wait3A_104 = tpu.memref_slice %arg2[%mul3A_2] : memref<425984xi32, #tpu.memory_space<hbm>> -> memref<13312xi32, #tpu.memory_space<hbm>>
      %dma_wait3A_105 = tpu.memref_slice %arg2[%mul3A_2] : memref<425984xi32, #tpu.memory_space<hbm>> -> memref<13312xi32, #tpu.memory_space<hbm>>
      tpu.wait_dma2 semaphore(%run_scoped3A : memref<!tpu.dma_semaphore, #tpu.memory_space<semaphore_mem>>) src(%dma_wait3A_105 : memref<13312xi32, #tpu.memory_space<hbm>>) dst(%arg5 : memref<13312xi32, #tpu.memory_space<vmem>>)
      tpu.yield
    }) : () -> ()
    %dma_start3A = arith.constant 0 : i32
    %dma_start3A_3 = tpu.memref_slice %arg5[%dma_start3A] : memref<13312xi32, #tpu.memory_space<vmem>> -> memref<128xi32, #tpu.memory_space<vmem>>
    %dma_start3A_4 = arith.constant 0 : i32
    %dma_start3A_5 = arith.constant 0 : i32
    %dma_start3A_6 = tpu.memref_slice %arg3[%dma_start3A_4, %dma_start3A_5] : memref<1000000x64xf32, #tpu.memory_space<hbm>> -> memref<1000000x64xf32, #tpu.memory_space<hbm>>
    tpu.enqueue_indirect_dma source(%dma_start3A_6 : memref<1000000x64xf32, #tpu.memory_space<hbm>>) target(%arg6 : memref<128x64xf32, #tpu.memory_space<vmem>>) offsets(%dma_start3A_3 : memref<128xi32, #tpu.memory_space<vmem>>) semaphore(%arg14 : memref<!tpu.dma_semaphore, #tpu.memory_space<semaphore_mem>>)
    %dma_start3A_7 = arith.constant 128 : i32
    %dma_start3A_8 = tpu.memref_slice %arg5[%dma_start3A_7] : memref<13312xi32, #tpu.memory_space<vmem>> -> memref<128xi32, #tpu.memory_space<vmem>>
    %dma_start3A_9 = arith.constant 0 : i32
    %dma_start3A_10 = arith.constant 0 : i32
    %dma_start3A_11 = tpu.memref_slice %arg3[%dma_start3A_9, %dma_start3A_10] : memref<1000000x64xf32, #tpu.memory_space<hbm>> -> memref<1000000x64xf32, #tpu.memory_space<hbm>>
    tpu.enqueue_indirect_dma source(%dma_start3A_11 : memref<1000000x64xf32, #tpu.memory_space<hbm>>) target(%arg7 : memref<128x64xf32, #tpu.memory_space<vmem>>) offsets(%dma_start3A_8 : memref<128xi32, #tpu.memory_space<vmem>>) semaphore(%arg15 : memref<!tpu.dma_semaphore, #tpu.memory_space<semaphore_mem>>)
    %dma_start3A_12 = arith.constant 256 : i32
    %dma_start3A_13 = tpu.memref_slice %arg5[%dma_start3A_12] : memref<13312xi32, #tpu.memory_space<vmem>> -> memref<128xi32, #tpu.memory_space<vmem>>
    %dma_start3A_14 = arith.constant 0 : i32
    %dma_start3A_15 = arith.constant 0 : i32
    %dma_start3A_16 = tpu.memref_slice %arg3[%dma_start3A_14, %dma_start3A_15] : memref<1000000x64xf32, #tpu.memory_space<hbm>> -> memref<1000000x64xf32, #tpu.memory_space<hbm>>
    tpu.enqueue_indirect_dma source(%dma_start3A_16 : memref<1000000x64xf32, #tpu.memory_space<hbm>>) target(%arg8 : memref<128x64xf32, #tpu.memory_space<vmem>>) offsets(%dma_start3A_13 : memref<128xi32, #tpu.memory_space<vmem>>) semaphore(%arg16 : memref<!tpu.dma_semaphore, #tpu.memory_space<semaphore_mem>>)
    %dma_start3A_17 = arith.constant 384 : i32
    %dma_start3A_18 = tpu.memref_slice %arg5[%dma_start3A_17] : memref<13312xi32, #tpu.memory_space<vmem>> -> memref<128xi32, #tpu.memory_space<vmem>>
    %dma_start3A_19 = arith.constant 0 : i32
    %dma_start3A_20 = arith.constant 0 : i32
    %dma_start3A_21 = tpu.memref_slice %arg3[%dma_start3A_19, %dma_start3A_20] : memref<1000000x64xf32, #tpu.memory_space<hbm>> -> memref<1000000x64xf32, #tpu.memory_space<hbm>>
    tpu.enqueue_indirect_dma source(%dma_start3A_21 : memref<1000000x64xf32, #tpu.memory_space<hbm>>) target(%arg9 : memref<128x64xf32, #tpu.memory_space<vmem>>) offsets(%dma_start3A_18 : memref<128xi32, #tpu.memory_space<vmem>>) semaphore(%arg17 : memref<!tpu.dma_semaphore, #tpu.memory_space<semaphore_mem>>)
    %dma_start3A_22 = arith.constant 512 : i32
    %dma_start3A_23 = tpu.memref_slice %arg5[%dma_start3A_22] : memref<13312xi32, #tpu.memory_space<vmem>> -> memref<128xi32, #tpu.memory_space<vmem>>
    %dma_start3A_24 = arith.constant 0 : i32
    %dma_start3A_25 = arith.constant 0 : i32
    %dma_start3A_26 = tpu.memref_slice %arg3[%dma_start3A_24, %dma_start3A_25] : memref<1000000x64xf32, #tpu.memory_space<hbm>> -> memref<1000000x64xf32, #tpu.memory_space<hbm>>
    tpu.enqueue_indirect_dma source(%dma_start3A_26 : memref<1000000x64xf32, #tpu.memory_space<hbm>>) target(%arg10 : memref<128x64xf32, #tpu.memory_space<vmem>>) offsets(%dma_start3A_23 : memref<128xi32, #tpu.memory_space<vmem>>) semaphore(%arg18 : memref<!tpu.dma_semaphore, #tpu.memory_space<semaphore_mem>>)
    %dma_start3A_27 = arith.constant 640 : i32
    %dma_start3A_28 = tpu.memref_slice %arg5[%dma_start3A_27] : memref<13312xi32, #tpu.memory_space<vmem>> -> memref<128xi32, #tpu.memory_space<vmem>>
    %dma_start3A_29 = arith.constant 0 : i32
    %dma_start3A_30 = arith.constant 0 : i32
    %dma_start3A_31 = tpu.memref_slice %arg3[%dma_start3A_29, %dma_start3A_30] : memref<1000000x64xf32, #tpu.memory_space<hbm>> -> memref<1000000x64xf32, #tpu.memory_space<hbm>>
    tpu.enqueue_indirect_dma source(%dma_start3A_31 : memref<1000000x64xf32, #tpu.memory_space<hbm>>) target(%arg11 : memref<128x64xf32, #tpu.memory_space<vmem>>) offsets(%dma_start3A_28 : memref<128xi32, #tpu.memory_space<vmem>>) semaphore(%arg19 : memref<!tpu.dma_semaphore, #tpu.memory_space<semaphore_mem>>)
    %dma_start3A_32 = arith.constant 768 : i32
    %dma_start3A_33 = tpu.memref_slice %arg5[%dma_start3A_32] : memref<13312xi32, #tpu.memory_space<vmem>> -> memref<128xi32, #tpu.memory_space<vmem>>
    %dma_start3A_34 = arith.constant 0 : i32
    %dma_start3A_35 = arith.constant 0 : i32
    %dma_start3A_36 = tpu.memref_slice %arg3[%dma_start3A_34, %dma_start3A_35] : memref<1000000x64xf32, #tpu.memory_space<hbm>> -> memref<1000000x64xf32, #tpu.memory_space<hbm>>
    tpu.enqueue_indirect_dma source(%dma_start3A_36 : memref<1000000x64xf32, #tpu.memory_space<hbm>>) target(%arg12 : memref<128x64xf32, #tpu.memory_space<vmem>>) offsets(%dma_start3A_33 : memref<128xi32, #tpu.memory_space<vmem>>) semaphore(%arg20 : memref<!tpu.dma_semaphore, #tpu.memory_space<semaphore_mem>>)
    %dma_start3A_37 = arith.constant 896 : i32
    %dma_start3A_38 = tpu.memref_slice %arg5[%dma_start3A_37] : memref<13312xi32, #tpu.memory_space<vmem>> -> memref<128xi32, #tpu.memory_space<vmem>>
    %dma_start3A_39 = arith.constant 0 : i32
    %dma_start3A_40 = arith.constant 0 : i32
    %dma_start3A_41 = tpu.memref_slice %arg3[%dma_start3A_39, %dma_start3A_40] : memref<1000000x64xf32, #tpu.memory_space<hbm>> -> memref<1000000x64xf32, #tpu.memory_space<hbm>>
    tpu.enqueue_indirect_dma source(%dma_start3A_41 : memref<1000000x64xf32, #tpu.memory_space<hbm>>) target(%arg13 : memref<128x64xf32, #tpu.memory_space<vmem>>) offsets(%dma_start3A_38 : memref<128xi32, #tpu.memory_space<vmem>>) semaphore(%arg21 : memref<!tpu.dma_semaphore, #tpu.memory_space<semaphore_mem>>)
    %scan3A = arith.constant 0 : i32
    %scan3A_42 = arith.constant 0 : i32
    %scan3A_43 = arith.constant 12 : i32
    %scan3A_44 = arith.addi %scan3A_42, %scan3A_43 : i32
    %scan3A_45 = arith.constant 1 : i32
    scf.for %scan3A_102 = %scan3A_42 to %scan3A_44 step %scan3A_45  : i32 {
      %mul3A_103 = arith.constant 8 : i32
      %mul3A_104 = arith.muli %scan3A_102, %mul3A_103 : i32
      %add3A_105 = arith.constant 0 : i32
      %add3A_106 = arith.addi %mul3A_104, %add3A_105 : i32
      %dma_wait3A_107 = arith.constant 0 : i32
      %dma_wait3A_108 = tpu.memref_slice %arg5[%dma_wait3A_107] : memref<13312xi32, #tpu.memory_space<vmem>> -> memref<128xi32, #tpu.memory_space<vmem>>
      %dma_wait3A_109 = arith.constant 0 : i32
      %dma_wait3A_110 = arith.constant 0 : i32
      %dma_wait3A_111 = tpu.memref_slice %arg3[%dma_wait3A_109, %dma_wait3A_110] : memref<1000000x64xf32, #tpu.memory_space<hbm>> -> memref<1000000x64xf32, #tpu.memory_space<hbm>>
      tpu.wait_indirect_dma semaphore(%arg14 : memref<!tpu.dma_semaphore, #tpu.memory_space<semaphore_mem>>) src(%dma_wait3A_111 : memref<1000000x64xf32, #tpu.memory_space<hbm>>) dst(%arg6 : memref<128x64xf32, #tpu.memory_space<vmem>>)
      %mul3A_112 = arith.constant 128 : i32
      %mul3A_113 = arith.muli %add3A_106, %mul3A_112 : i32
      %add3A_114 = arith.addi %mul3A_2, %mul3A_113 : i32
      "tpu.region"() ({
        %run_scoped3A = tpu.sem_alloc : memref<!tpu.dma_semaphore, #tpu.memory_space<semaphore_mem>>
        %dma_start3A_263 = arith.constant 0 : i32
        %dma_start3A_264 = tpu.memref_slice %arg4[%add3A_114, %dma_start3A_263] : memref<425984x64xf32, #tpu.memory_space<hbm>> -> memref<128x64xf32, #tpu.memory_space<hbm>>
        %dma_start3A_265 = arith.constant 0 : i32
        %dma_start3A_266 = tpu.memref_slice %arg4[%add3A_114, %dma_start3A_265] : memref<425984x64xf32, #tpu.memory_space<hbm>> -> memref<128x64xf32, #tpu.memory_space<hbm>>
        tpu.enqueue_dma source(%arg6 : memref<128x64xf32, #tpu.memory_space<vmem>>) target(%dma_start3A_266 : memref<128x64xf32, #tpu.memory_space<hbm>>) target_semaphore(%run_scoped3A : memref<!tpu.dma_semaphore, #tpu.memory_space<semaphore_mem>>)
        %dma_wait3A_267 = arith.constant 0 : i32
        %dma_wait3A_268 = tpu.memref_slice %arg4[%add3A_114, %dma_wait3A_267] : memref<425984x64xf32, #tpu.memory_space<hbm>> -> memref<128x64xf32, #tpu.memory_space<hbm>>
        %dma_wait3A_269 = arith.constant 0 : i32
        %dma_wait3A_270 = tpu.memref_slice %arg4[%add3A_114, %dma_wait3A_269] : memref<425984x64xf32, #tpu.memory_space<hbm>> -> memref<128x64xf32, #tpu.memory_space<hbm>>
        tpu.wait_dma2 semaphore(%run_scoped3A : memref<!tpu.dma_semaphore, #tpu.memory_space<semaphore_mem>>) src(%arg6 : memref<128x64xf32, #tpu.memory_space<vmem>>) dst(%dma_wait3A_270 : memref<128x64xf32, #tpu.memory_space<hbm>>)
        tpu.yield
      }) : () -> ()
      %add3A_115 = arith.constant 8 : i32
      %add3A_116 = arith.addi %add3A_106, %add3A_115 : i32
      %mul3A_117 = arith.constant 128 : i32
      %mul3A_118 = arith.muli %add3A_116, %mul3A_117 : i32
      %dma_start3A_119 = tpu.memref_slice %arg5[%mul3A_118] : memref<13312xi32, #tpu.memory_space<vmem>> -> memref<128xi32, #tpu.memory_space<vmem>>
      %dma_start3A_120 = arith.constant 0 : i32
      %dma_start3A_121 = arith.constant 0 : i32
      %dma_start3A_122 = tpu.memref_slice %arg3[%dma_start3A_120, %dma_start3A_121] : memref<1000000x64xf32, #tpu.memory_space<hbm>> -> memref<1000000x64xf32, #tpu.memory_space<hbm>>
      tpu.enqueue_indirect_dma source(%dma_start3A_122 : memref<1000000x64xf32, #tpu.memory_space<hbm>>) target(%arg6 : memref<128x64xf32, #tpu.memory_space<vmem>>) offsets(%dma_start3A_119 : memref<128xi32, #tpu.memory_space<vmem>>) semaphore(%arg14 : memref<!tpu.dma_semaphore, #tpu.memory_space<semaphore_mem>>)
      %mul3A_123 = arith.constant 8 : i32
      %mul3A_124 = arith.muli %scan3A_102, %mul3A_123 : i32
      %add3A_125 = arith.constant 1 : i32
      %add3A_126 = arith.addi %mul3A_124, %add3A_125 : i32
      %dma_wait3A_127 = arith.constant 0 : i32
      %dma_wait3A_128 = tpu.memref_slice %arg5[%dma_wait3A_127] : memref<13312xi32, #tpu.memory_space<vmem>> -> memref<128xi32, #tpu.memory_space<vmem>>
      %dma_wait3A_129 = arith.constant 0 : i32
      %dma_wait3A_130 = arith.constant 0 : i32
      %dma_wait3A_131 = tpu.memref_slice %arg3[%dma_wait3A_129, %dma_wait3A_130] : memref<1000000x64xf32, #tpu.memory_space<hbm>> -> memref<1000000x64xf32, #tpu.memory_space<hbm>>
      tpu.wait_indirect_dma semaphore(%arg15 : memref<!tpu.dma_semaphore, #tpu.memory_space<semaphore_mem>>) src(%dma_wait3A_131 : memref<1000000x64xf32, #tpu.memory_space<hbm>>) dst(%arg7 : memref<128x64xf32, #tpu.memory_space<vmem>>)
      %mul3A_132 = arith.constant 128 : i32
      %mul3A_133 = arith.muli %add3A_126, %mul3A_132 : i32
      %add3A_134 = arith.addi %mul3A_2, %mul3A_133 : i32
      "tpu.region"() ({
        %run_scoped3A = tpu.sem_alloc : memref<!tpu.dma_semaphore, #tpu.memory_space<semaphore_mem>>
        %dma_start3A_263 = arith.constant 0 : i32
        %dma_start3A_264 = tpu.memref_slice %arg4[%add3A_134, %dma_start3A_263] : memref<425984x64xf32, #tpu.memory_space<hbm>> -> memref<128x64xf32, #tpu.memory_space<hbm>>
        %dma_start3A_265 = arith.constant 0 : i32
        %dma_start3A_266 = tpu.memref_slice %arg4[%add3A_134, %dma_start3A_265] : memref<425984x64xf32, #tpu.memory_space<hbm>> -> memref<128x64xf32, #tpu.memory_space<hbm>>
        tpu.enqueue_dma source(%arg7 : memref<128x64xf32, #tpu.memory_space<vmem>>) target(%dma_start3A_266 : memref<128x64xf32, #tpu.memory_space<hbm>>) target_semaphore(%run_scoped3A : memref<!tpu.dma_semaphore, #tpu.memory_space<semaphore_mem>>)
        %dma_wait3A_267 = arith.constant 0 : i32
        %dma_wait3A_268 = tpu.memref_slice %arg4[%add3A_134, %dma_wait3A_267] : memref<425984x64xf32, #tpu.memory_space<hbm>> -> memref<128x64xf32, #tpu.memory_space<hbm>>
        %dma_wait3A_269 = arith.constant 0 : i32
        %dma_wait3A_270 = tpu.memref_slice %arg4[%add3A_134, %dma_wait3A_269] : memref<425984x64xf32, #tpu.memory_space<hbm>> -> memref<128x64xf32, #tpu.memory_space<hbm>>
        tpu.wait_dma2 semaphore(%run_scoped3A : memref<!tpu.dma_semaphore, #tpu.memory_space<semaphore_mem>>) src(%arg7 : memref<128x64xf32, #tpu.memory_space<vmem>>) dst(%dma_wait3A_270 : memref<128x64xf32, #tpu.memory_space<hbm>>)
        tpu.yield
      }) : () -> ()
      %add3A_135 = arith.constant 8 : i32
      %add3A_136 = arith.addi %add3A_126, %add3A_135 : i32
      %mul3A_137 = arith.constant 128 : i32
      %mul3A_138 = arith.muli %add3A_136, %mul3A_137 : i32
      %dma_start3A_139 = tpu.memref_slice %arg5[%mul3A_138] : memref<13312xi32, #tpu.memory_space<vmem>> -> memref<128xi32, #tpu.memory_space<vmem>>
      %dma_start3A_140 = arith.constant 0 : i32
      %dma_start3A_141 = arith.constant 0 : i32
      %dma_start3A_142 = tpu.memref_slice %arg3[%dma_start3A_140, %dma_start3A_141] : memref<1000000x64xf32, #tpu.memory_space<hbm>> -> memref<1000000x64xf32, #tpu.memory_space<hbm>>
      tpu.enqueue_indirect_dma source(%dma_start3A_142 : memref<1000000x64xf32, #tpu.memory_space<hbm>>) target(%arg7 : memref<128x64xf32, #tpu.memory_space<vmem>>) offsets(%dma_start3A_139 : memref<128xi32, #tpu.memory_space<vmem>>) semaphore(%arg15 : memref<!tpu.dma_semaphore, #tpu.memory_space<semaphore_mem>>)
      %mul3A_143 = arith.constant 8 : i32
      %mul3A_144 = arith.muli %scan3A_102, %mul3A_143 : i32
      %add3A_145 = arith.constant 2 : i32
      %add3A_146 = arith.addi %mul3A_144, %add3A_145 : i32
      %dma_wait3A_147 = arith.constant 0 : i32
      %dma_wait3A_148 = tpu.memref_slice %arg5[%dma_wait3A_147] : memref<13312xi32, #tpu.memory_space<vmem>> -> memref<128xi32, #tpu.memory_space<vmem>>
      %dma_wait3A_149 = arith.constant 0 : i32
      %dma_wait3A_150 = arith.constant 0 : i32
      %dma_wait3A_151 = tpu.memref_slice %arg3[%dma_wait3A_149, %dma_wait3A_150] : memref<1000000x64xf32, #tpu.memory_space<hbm>> -> memref<1000000x64xf32, #tpu.memory_space<hbm>>
      tpu.wait_indirect_dma semaphore(%arg16 : memref<!tpu.dma_semaphore, #tpu.memory_space<semaphore_mem>>) src(%dma_wait3A_151 : memref<1000000x64xf32, #tpu.memory_space<hbm>>) dst(%arg8 : memref<128x64xf32, #tpu.memory_space<vmem>>)
      %mul3A_152 = arith.constant 128 : i32
      %mul3A_153 = arith.muli %add3A_146, %mul3A_152 : i32
      %add3A_154 = arith.addi %mul3A_2, %mul3A_153 : i32
      "tpu.region"() ({
        %run_scoped3A = tpu.sem_alloc : memref<!tpu.dma_semaphore, #tpu.memory_space<semaphore_mem>>
        %dma_start3A_263 = arith.constant 0 : i32
        %dma_start3A_264 = tpu.memref_slice %arg4[%add3A_154, %dma_start3A_263] : memref<425984x64xf32, #tpu.memory_space<hbm>> -> memref<128x64xf32, #tpu.memory_space<hbm>>
        %dma_start3A_265 = arith.constant 0 : i32
        %dma_start3A_266 = tpu.memref_slice %arg4[%add3A_154, %dma_start3A_265] : memref<425984x64xf32, #tpu.memory_space<hbm>> -> memref<128x64xf32, #tpu.memory_space<hbm>>
        tpu.enqueue_dma source(%arg8 : memref<128x64xf32, #tpu.memory_space<vmem>>) target(%dma_start3A_266 : memref<128x64xf32, #tpu.memory_space<hbm>>) target_semaphore(%run_scoped3A : memref<!tpu.dma_semaphore, #tpu.memory_space<semaphore_mem>>)
        %dma_wait3A_267 = arith.constant 0 : i32
        %dma_wait3A_268 = tpu.memref_slice %arg4[%add3A_154, %dma_wait3A_267] : memref<425984x64xf32, #tpu.memory_space<hbm>> -> memref<128x64xf32, #tpu.memory_space<hbm>>
        %dma_wait3A_269 = arith.constant 0 : i32
        %dma_wait3A_270 = tpu.memref_slice %arg4[%add3A_154, %dma_wait3A_269] : memref<425984x64xf32, #tpu.memory_space<hbm>> -> memref<128x64xf32, #tpu.memory_space<hbm>>
        tpu.wait_dma2 semaphore(%run_scoped3A : memref<!tpu.dma_semaphore, #tpu.memory_space<semaphore_mem>>) src(%arg8 : memref<128x64xf32, #tpu.memory_space<vmem>>) dst(%dma_wait3A_270 : memref<128x64xf32, #tpu.memory_space<hbm>>)
        tpu.yield
      }) : () -> ()
      %add3A_155 = arith.constant 8 : i32
      %add3A_156 = arith.addi %add3A_146, %add3A_155 : i32
      %mul3A_157 = arith.constant 128 : i32
      %mul3A_158 = arith.muli %add3A_156, %mul3A_157 : i32
      %dma_start3A_159 = tpu.memref_slice %arg5[%mul3A_158] : memref<13312xi32, #tpu.memory_space<vmem>> -> memref<128xi32, #tpu.memory_space<vmem>>
      %dma_start3A_160 = arith.constant 0 : i32
      %dma_start3A_161 = arith.constant 0 : i32
      %dma_start3A_162 = tpu.memref_slice %arg3[%dma_start3A_160, %dma_start3A_161] : memref<1000000x64xf32, #tpu.memory_space<hbm>> -> memref<1000000x64xf32, #tpu.memory_space<hbm>>
      tpu.enqueue_indirect_dma source(%dma_start3A_162 : memref<1000000x64xf32, #tpu.memory_space<hbm>>) target(%arg8 : memref<128x64xf32, #tpu.memory_space<vmem>>) offsets(%dma_start3A_159 : memref<128xi32, #tpu.memory_space<vmem>>) semaphore(%arg16 : memref<!tpu.dma_semaphore, #tpu.memory_space<semaphore_mem>>)
      %mul3A_163 = arith.constant 8 : i32
      %mul3A_164 = arith.muli %scan3A_102, %mul3A_163 : i32
      %add3A_165 = arith.constant 3 : i32
      %add3A_166 = arith.addi %mul3A_164, %add3A_165 : i32
      %dma_wait3A_167 = arith.constant 0 : i32
      %dma_wait3A_168 = tpu.memref_slice %arg5[%dma_wait3A_167] : memref<13312xi32, #tpu.memory_space<vmem>> -> memref<128xi32, #tpu.memory_space<vmem>>
      %dma_wait3A_169 = arith.constant 0 : i32
      %dma_wait3A_170 = arith.constant 0 : i32
      %dma_wait3A_171 = tpu.memref_slice %arg3[%dma_wait3A_169, %dma_wait3A_170] : memref<1000000x64xf32, #tpu.memory_space<hbm>> -> memref<1000000x64xf32, #tpu.memory_space<hbm>>
      tpu.wait_indirect_dma semaphore(%arg17 : memref<!tpu.dma_semaphore, #tpu.memory_space<semaphore_mem>>) src(%dma_wait3A_171 : memref<1000000x64xf32, #tpu.memory_space<hbm>>) dst(%arg9 : memref<128x64xf32, #tpu.memory_space<vmem>>)
      %mul3A_172 = arith.constant 128 : i32
      %mul3A_173 = arith.muli %add3A_166, %mul3A_172 : i32
      %add3A_174 = arith.addi %mul3A_2, %mul3A_173 : i32
      "tpu.region"() ({
        %run_scoped3A = tpu.sem_alloc : memref<!tpu.dma_semaphore, #tpu.memory_space<semaphore_mem>>
        %dma_start3A_263 = arith.constant 0 : i32
        %dma_start3A_264 = tpu.memref_slice %arg4[%add3A_174, %dma_start3A_263] : memref<425984x64xf32, #tpu.memory_space<hbm>> -> memref<128x64xf32, #tpu.memory_space<hbm>>
        %dma_start3A_265 = arith.constant 0 : i32
        %dma_start3A_266 = tpu.memref_slice %arg4[%add3A_174, %dma_start3A_265] : memref<425984x64xf32, #tpu.memory_space<hbm>> -> memref<128x64xf32, #tpu.memory_space<hbm>>
        tpu.enqueue_dma source(%arg9 : memref<128x64xf32, #tpu.memory_space<vmem>>) target(%dma_start3A_266 : memref<128x64xf32, #tpu.memory_space<hbm>>) target_semaphore(%run_scoped3A : memref<!tpu.dma_semaphore, #tpu.memory_space<semaphore_mem>>)
        %dma_wait3A_267 = arith.constant 0 : i32
        %dma_wait3A_268 = tpu.memref_slice %arg4[%add3A_174, %dma_wait3A_267] : memref<425984x64xf32, #tpu.memory_space<hbm>> -> memref<128x64xf32, #tpu.memory_space<hbm>>
        %dma_wait3A_269 = arith.constant 0 : i32
        %dma_wait3A_270 = tpu.memref_slice %arg4[%add3A_174, %dma_wait3A_269] : memref<425984x64xf32, #tpu.memory_space<hbm>> -> memref<128x64xf32, #tpu.memory_space<hbm>>
        tpu.wait_dma2 semaphore(%run_scoped3A : memref<!tpu.dma_semaphore, #tpu.memory_space<semaphore_mem>>) src(%arg9 : memref<128x64xf32, #tpu.memory_space<vmem>>) dst(%dma_wait3A_270 : memref<128x64xf32, #tpu.memory_space<hbm>>)
        tpu.yield
      }) : () -> ()
      %add3A_175 = arith.constant 8 : i32
      %add3A_176 = arith.addi %add3A_166, %add3A_175 : i32
      %mul3A_177 = arith.constant 128 : i32
      %mul3A_178 = arith.muli %add3A_176, %mul3A_177 : i32
      %dma_start3A_179 = tpu.memref_slice %arg5[%mul3A_178] : memref<13312xi32, #tpu.memory_space<vmem>> -> memref<128xi32, #tpu.memory_space<vmem>>
      %dma_start3A_180 = arith.constant 0 : i32
      %dma_start3A_181 = arith.constant 0 : i32
      %dma_start3A_182 = tpu.memref_slice %arg3[%dma_start3A_180, %dma_start3A_181] : memref<1000000x64xf32, #tpu.memory_space<hbm>> -> memref<1000000x64xf32, #tpu.memory_space<hbm>>
      tpu.enqueue_indirect_dma source(%dma_start3A_182 : memref<1000000x64xf32, #tpu.memory_space<hbm>>) target(%arg9 : memref<128x64xf32, #tpu.memory_space<vmem>>) offsets(%dma_start3A_179 : memref<128xi32, #tpu.memory_space<vmem>>) semaphore(%arg17 : memref<!tpu.dma_semaphore, #tpu.memory_space<semaphore_mem>>)
      %mul3A_183 = arith.constant 8 : i32
      %mul3A_184 = arith.muli %scan3A_102, %mul3A_183 : i32
      %add3A_185 = arith.constant 4 : i32
      %add3A_186 = arith.addi %mul3A_184, %add3A_185 : i32
      %dma_wait3A_187 = arith.constant 0 : i32
      %dma_wait3A_188 = tpu.memref_slice %arg5[%dma_wait3A_187] : memref<13312xi32, #tpu.memory_space<vmem>> -> memref<128xi32, #tpu.memory_space<vmem>>
      %dma_wait3A_189 = arith.constant 0 : i32
      %dma_wait3A_190 = arith.constant 0 : i32
      %dma_wait3A_191 = tpu.memref_slice %arg3[%dma_wait3A_189, %dma_wait3A_190] : memref<1000000x64xf32, #tpu.memory_space<hbm>> -> memref<1000000x64xf32, #tpu.memory_space<hbm>>
      tpu.wait_indirect_dma semaphore(%arg18 : memref<!tpu.dma_semaphore, #tpu.memory_space<semaphore_mem>>) src(%dma_wait3A_191 : memref<1000000x64xf32, #tpu.memory_space<hbm>>) dst(%arg10 : memref<128x64xf32, #tpu.memory_space<vmem>>)
      %mul3A_192 = arith.constant 128 : i32
      %mul3A_193 = arith.muli %add3A_186, %mul3A_192 : i32
      %add3A_194 = arith.addi %mul3A_2, %mul3A_193 : i32
      "tpu.region"() ({
        %run_scoped3A = tpu.sem_alloc : memref<!tpu.dma_semaphore, #tpu.memory_space<semaphore_mem>>
        %dma_start3A_263 = arith.constant 0 : i32
        %dma_start3A_264 = tpu.memref_slice %arg4[%add3A_194, %dma_start3A_263] : memref<425984x64xf32, #tpu.memory_space<hbm>> -> memref<128x64xf32, #tpu.memory_space<hbm>>
        %dma_start3A_265 = arith.constant 0 : i32
        %dma_start3A_266 = tpu.memref_slice %arg4[%add3A_194, %dma_start3A_265] : memref<425984x64xf32, #tpu.memory_space<hbm>> -> memref<128x64xf32, #tpu.memory_space<hbm>>
        tpu.enqueue_dma source(%arg10 : memref<128x64xf32, #tpu.memory_space<vmem>>) target(%dma_start3A_266 : memref<128x64xf32, #tpu.memory_space<hbm>>) target_semaphore(%run_scoped3A : memref<!tpu.dma_semaphore, #tpu.memory_space<semaphore_mem>>)
        %dma_wait3A_267 = arith.constant 0 : i32
        %dma_wait3A_268 = tpu.memref_slice %arg4[%add3A_194, %dma_wait3A_267] : memref<425984x64xf32, #tpu.memory_space<hbm>> -> memref<128x64xf32, #tpu.memory_space<hbm>>
        %dma_wait3A_269 = arith.constant 0 : i32
        %dma_wait3A_270 = tpu.memref_slice %arg4[%add3A_194, %dma_wait3A_269] : memref<425984x64xf32, #tpu.memory_space<hbm>> -> memref<128x64xf32, #tpu.memory_space<hbm>>
        tpu.wait_dma2 semaphore(%run_scoped3A : memref<!tpu.dma_semaphore, #tpu.memory_space<semaphore_mem>>) src(%arg10 : memref<128x64xf32, #tpu.memory_space<vmem>>) dst(%dma_wait3A_270 : memref<128x64xf32, #tpu.memory_space<hbm>>)
        tpu.yield
      }) : () -> ()
      %add3A_195 = arith.constant 8 : i32
      %add3A_196 = arith.addi %add3A_186, %add3A_195 : i32
      %mul3A_197 = arith.constant 128 : i32
      %mul3A_198 = arith.muli %add3A_196, %mul3A_197 : i32
      %dma_start3A_199 = tpu.memref_slice %arg5[%mul3A_198] : memref<13312xi32, #tpu.memory_space<vmem>> -> memref<128xi32, #tpu.memory_space<vmem>>
      %dma_start3A_200 = arith.constant 0 : i32
      %dma_start3A_201 = arith.constant 0 : i32
      %dma_start3A_202 = tpu.memref_slice %arg3[%dma_start3A_200, %dma_start3A_201] : memref<1000000x64xf32, #tpu.memory_space<hbm>> -> memref<1000000x64xf32, #tpu.memory_space<hbm>>
      tpu.enqueue_indirect_dma source(%dma_start3A_202 : memref<1000000x64xf32, #tpu.memory_space<hbm>>) target(%arg10 : memref<128x64xf32, #tpu.memory_space<vmem>>) offsets(%dma_start3A_199 : memref<128xi32, #tpu.memory_space<vmem>>) semaphore(%arg18 : memref<!tpu.dma_semaphore, #tpu.memory_space<semaphore_mem>>)
      %mul3A_203 = arith.constant 8 : i32
      %mul3A_204 = arith.muli %scan3A_102, %mul3A_203 : i32
      %add3A_205 = arith.constant 5 : i32
      %add3A_206 = arith.addi %mul3A_204, %add3A_205 : i32
      %dma_wait3A_207 = arith.constant 0 : i32
      %dma_wait3A_208 = tpu.memref_slice %arg5[%dma_wait3A_207] : memref<13312xi32, #tpu.memory_space<vmem>> -> memref<128xi32, #tpu.memory_space<vmem>>
      %dma_wait3A_209 = arith.constant 0 : i32
      %dma_wait3A_210 = arith.constant 0 : i32
      %dma_wait3A_211 = tpu.memref_slice %arg3[%dma_wait3A_209, %dma_wait3A_210] : memref<1000000x64xf32, #tpu.memory_space<hbm>> -> memref<1000000x64xf32, #tpu.memory_space<hbm>>
      tpu.wait_indirect_dma semaphore(%arg19 : memref<!tpu.dma_semaphore, #tpu.memory_space<semaphore_mem>>) src(%dma_wait3A_211 : memref<1000000x64xf32, #tpu.memory_space<hbm>>) dst(%arg11 : memref<128x64xf32, #tpu.memory_space<vmem>>)
      %mul3A_212 = arith.constant 128 : i32
      %mul3A_213 = arith.muli %add3A_206, %mul3A_212 : i32
      %add3A_214 = arith.addi %mul3A_2, %mul3A_213 : i32
      "tpu.region"() ({
        %run_scoped3A = tpu.sem_alloc : memref<!tpu.dma_semaphore, #tpu.memory_space<semaphore_mem>>
        %dma_start3A_263 = arith.constant 0 : i32
        %dma_start3A_264 = tpu.memref_slice %arg4[%add3A_214, %dma_start3A_263] : memref<425984x64xf32, #tpu.memory_space<hbm>> -> memref<128x64xf32, #tpu.memory_space<hbm>>
        %dma_start3A_265 = arith.constant 0 : i32
        %dma_start3A_266 = tpu.memref_slice %arg4[%add3A_214, %dma_start3A_265] : memref<425984x64xf32, #tpu.memory_space<hbm>> -> memref<128x64xf32, #tpu.memory_space<hbm>>
        tpu.enqueue_dma source(%arg11 : memref<128x64xf32, #tpu.memory_space<vmem>>) target(%dma_start3A_266 : memref<128x64xf32, #tpu.memory_space<hbm>>) target_semaphore(%run_scoped3A : memref<!tpu.dma_semaphore, #tpu.memory_space<semaphore_mem>>)
        %dma_wait3A_267 = arith.constant 0 : i32
        %dma_wait3A_268 = tpu.memref_slice %arg4[%add3A_214, %dma_wait3A_267] : memref<425984x64xf32, #tpu.memory_space<hbm>> -> memref<128x64xf32, #tpu.memory_space<hbm>>
        %dma_wait3A_269 = arith.constant 0 : i32
        %dma_wait3A_270 = tpu.memref_slice %arg4[%add3A_214, %dma_wait3A_269] : memref<425984x64xf32, #tpu.memory_space<hbm>> -> memref<128x64xf32, #tpu.memory_space<hbm>>
        tpu.wait_dma2 semaphore(%run_scoped3A : memref<!tpu.dma_semaphore, #tpu.memory_space<semaphore_mem>>) src(%arg11 : memref<128x64xf32, #tpu.memory_space<vmem>>) dst(%dma_wait3A_270 : memref<128x64xf32, #tpu.memory_space<hbm>>)
        tpu.yield
      }) : () -> ()
      %add3A_215 = arith.constant 8 : i32
      %add3A_216 = arith.addi %add3A_206, %add3A_215 : i32
      %mul3A_217 = arith.constant 128 : i32
      %mul3A_218 = arith.muli %add3A_216, %mul3A_217 : i32
      %dma_start3A_219 = tpu.memref_slice %arg5[%mul3A_218] : memref<13312xi32, #tpu.memory_space<vmem>> -> memref<128xi32, #tpu.memory_space<vmem>>
      %dma_start3A_220 = arith.constant 0 : i32
      %dma_start3A_221 = arith.constant 0 : i32
      %dma_start3A_222 = tpu.memref_slice %arg3[%dma_start3A_220, %dma_start3A_221] : memref<1000000x64xf32, #tpu.memory_space<hbm>> -> memref<1000000x64xf32, #tpu.memory_space<hbm>>
      tpu.enqueue_indirect_dma source(%dma_start3A_222 : memref<1000000x64xf32, #tpu.memory_space<hbm>>) target(%arg11 : memref<128x64xf32, #tpu.memory_space<vmem>>) offsets(%dma_start3A_219 : memref<128xi32, #tpu.memory_space<vmem>>) semaphore(%arg19 : memref<!tpu.dma_semaphore, #tpu.memory_space<semaphore_mem>>)
      %mul3A_223 = arith.constant 8 : i32
      %mul3A_224 = arith.muli %scan3A_102, %mul3A_223 : i32
      %add3A_225 = arith.constant 6 : i32
      %add3A_226 = arith.addi %mul3A_224, %add3A_225 : i32
      %dma_wait3A_227 = arith.constant 0 : i32
      %dma_wait3A_228 = tpu.memref_slice %arg5[%dma_wait3A_227] : memref<13312xi32, #tpu.memory_space<vmem>> -> memref<128xi32, #tpu.memory_space<vmem>>
      %dma_wait3A_229 = arith.constant 0 : i32
      %dma_wait3A_230 = arith.constant 0 : i32
      %dma_wait3A_231 = tpu.memref_slice %arg3[%dma_wait3A_229, %dma_wait3A_230] : memref<1000000x64xf32, #tpu.memory_space<hbm>> -> memref<1000000x64xf32, #tpu.memory_space<hbm>>
      tpu.wait_indirect_dma semaphore(%arg20 : memref<!tpu.dma_semaphore, #tpu.memory_space<semaphore_mem>>) src(%dma_wait3A_231 : memref<1000000x64xf32, #tpu.memory_space<hbm>>) dst(%arg12 : memref<128x64xf32, #tpu.memory_space<vmem>>)
      %mul3A_232 = arith.constant 128 : i32
      %mul3A_233 = arith.muli %add3A_226, %mul3A_232 : i32
      %add3A_234 = arith.addi %mul3A_2, %mul3A_233 : i32
      "tpu.region"() ({
        %run_scoped3A = tpu.sem_alloc : memref<!tpu.dma_semaphore, #tpu.memory_space<semaphore_mem>>
        %dma_start3A_263 = arith.constant 0 : i32
        %dma_start3A_264 = tpu.memref_slice %arg4[%add3A_234, %dma_start3A_263] : memref<425984x64xf32, #tpu.memory_space<hbm>> -> memref<128x64xf32, #tpu.memory_space<hbm>>
        %dma_start3A_265 = arith.constant 0 : i32
        %dma_start3A_266 = tpu.memref_slice %arg4[%add3A_234, %dma_start3A_265] : memref<425984x64xf32, #tpu.memory_space<hbm>> -> memref<128x64xf32, #tpu.memory_space<hbm>>
        tpu.enqueue_dma source(%arg12 : memref<128x64xf32, #tpu.memory_space<vmem>>) target(%dma_start3A_266 : memref<128x64xf32, #tpu.memory_space<hbm>>) target_semaphore(%run_scoped3A : memref<!tpu.dma_semaphore, #tpu.memory_space<semaphore_mem>>)
        %dma_wait3A_267 = arith.constant 0 : i32
        %dma_wait3A_268 = tpu.memref_slice %arg4[%add3A_234, %dma_wait3A_267] : memref<425984x64xf32, #tpu.memory_space<hbm>> -> memref<128x64xf32, #tpu.memory_space<hbm>>
        %dma_wait3A_269 = arith.constant 0 : i32
        %dma_wait3A_270 = tpu.memref_slice %arg4[%add3A_234, %dma_wait3A_269] : memref<425984x64xf32, #tpu.memory_space<hbm>> -> memref<128x64xf32, #tpu.memory_space<hbm>>
        tpu.wait_dma2 semaphore(%run_scoped3A : memref<!tpu.dma_semaphore, #tpu.memory_space<semaphore_mem>>) src(%arg12 : memref<128x64xf32, #tpu.memory_space<vmem>>) dst(%dma_wait3A_270 : memref<128x64xf32, #tpu.memory_space<hbm>>)
        tpu.yield
      }) : () -> ()
      %add3A_235 = arith.constant 8 : i32
      %add3A_236 = arith.addi %add3A_226, %add3A_235 : i32
      %mul3A_237 = arith.constant 128 : i32
      %mul3A_238 = arith.muli %add3A_236, %mul3A_237 : i32
      %dma_start3A_239 = tpu.memref_slice %arg5[%mul3A_238] : memref<13312xi32, #tpu.memory_space<vmem>> -> memref<128xi32, #tpu.memory_space<vmem>>
      %dma_start3A_240 = arith.constant 0 : i32
      %dma_start3A_241 = arith.constant 0 : i32
      %dma_start3A_242 = tpu.memref_slice %arg3[%dma_start3A_240, %dma_start3A_241] : memref<1000000x64xf32, #tpu.memory_space<hbm>> -> memref<1000000x64xf32, #tpu.memory_space<hbm>>
      tpu.enqueue_indirect_dma source(%dma_start3A_242 : memref<1000000x64xf32, #tpu.memory_space<hbm>>) target(%arg12 : memref<128x64xf32, #tpu.memory_space<vmem>>) offsets(%dma_start3A_239 : memref<128xi32, #tpu.memory_space<vmem>>) semaphore(%arg20 : memref<!tpu.dma_semaphore, #tpu.memory_space<semaphore_mem>>)
      %mul3A_243 = arith.constant 8 : i32
      %mul3A_244 = arith.muli %scan3A_102, %mul3A_243 : i32
      %add3A_245 = arith.constant 7 : i32
      %add3A_246 = arith.addi %mul3A_244, %add3A_245 : i32
      %dma_wait3A_247 = arith.constant 0 : i32
      %dma_wait3A_248 = tpu.memref_slice %arg5[%dma_wait3A_247] : memref<13312xi32, #tpu.memory_space<vmem>> -> memref<128xi32, #tpu.memory_space<vmem>>
      %dma_wait3A_249 = arith.constant 0 : i32
      %dma_wait3A_250 = arith.constant 0 : i32
      %dma_wait3A_251 = tpu.memref_slice %arg3[%dma_wait3A_249, %dma_wait3A_250] : memref<1000000x64xf32, #tpu.memory_space<hbm>> -> memref<1000000x64xf32, #tpu.memory_space<hbm>>
      tpu.wait_indirect_dma semaphore(%arg21 : memref<!tpu.dma_semaphore, #tpu.memory_space<semaphore_mem>>) src(%dma_wait3A_251 : memref<1000000x64xf32, #tpu.memory_space<hbm>>) dst(%arg13 : memref<128x64xf32, #tpu.memory_space<vmem>>)
      %mul3A_252 = arith.constant 128 : i32
      %mul3A_253 = arith.muli %add3A_246, %mul3A_252 : i32
      %add3A_254 = arith.addi %mul3A_2, %mul3A_253 : i32
      "tpu.region"() ({
        %run_scoped3A = tpu.sem_alloc : memref<!tpu.dma_semaphore, #tpu.memory_space<semaphore_mem>>
        %dma_start3A_263 = arith.constant 0 : i32
        %dma_start3A_264 = tpu.memref_slice %arg4[%add3A_254, %dma_start3A_263] : memref<425984x64xf32, #tpu.memory_space<hbm>> -> memref<128x64xf32, #tpu.memory_space<hbm>>
        %dma_start3A_265 = arith.constant 0 : i32
        %dma_start3A_266 = tpu.memref_slice %arg4[%add3A_254, %dma_start3A_265] : memref<425984x64xf32, #tpu.memory_space<hbm>> -> memref<128x64xf32, #tpu.memory_space<hbm>>
        tpu.enqueue_dma source(%arg13 : memref<128x64xf32, #tpu.memory_space<vmem>>) target(%dma_start3A_266 : memref<128x64xf32, #tpu.memory_space<hbm>>) target_semaphore(%run_scoped3A : memref<!tpu.dma_semaphore, #tpu.memory_space<semaphore_mem>>)
        %dma_wait3A_267 = arith.constant 0 : i32
        %dma_wait3A_268 = tpu.memref_slice %arg4[%add3A_254, %dma_wait3A_267] : memref<425984x64xf32, #tpu.memory_space<hbm>> -> memref<128x64xf32, #tpu.memory_space<hbm>>
        %dma_wait3A_269 = arith.constant 0 : i32
        %dma_wait3A_270 = tpu.memref_slice %arg4[%add3A_254, %dma_wait3A_269] : memref<425984x64xf32, #tpu.memory_space<hbm>> -> memref<128x64xf32, #tpu.memory_space<hbm>>
        tpu.wait_dma2 semaphore(%run_scoped3A : memref<!tpu.dma_semaphore, #tpu.memory_space<semaphore_mem>>) src(%arg13 : memref<128x64xf32, #tpu.memory_space<vmem>>) dst(%dma_wait3A_270 : memref<128x64xf32, #tpu.memory_space<hbm>>)
        tpu.yield
      }) : () -> ()
      %add3A_255 = arith.constant 8 : i32
      %add3A_256 = arith.addi %add3A_246, %add3A_255 : i32
      %mul3A_257 = arith.constant 128 : i32
      %mul3A_258 = arith.muli %add3A_256, %mul3A_257 : i32
      %dma_start3A_259 = tpu.memref_slice %arg5[%mul3A_258] : memref<13312xi32, #tpu.memory_space<vmem>> -> memref<128xi32, #tpu.memory_space<vmem>>
      %dma_start3A_260 = arith.constant 0 : i32
      %dma_start3A_261 = arith.constant 0 : i32
      %dma_start3A_262 = tpu.memref_slice %arg3[%dma_start3A_260, %dma_start3A_261] : memref<1000000x64xf32, #tpu.memory_space<hbm>> -> memref<1000000x64xf32, #tpu.memory_space<hbm>>
      tpu.enqueue_indirect_dma source(%dma_start3A_262 : memref<1000000x64xf32, #tpu.memory_space<hbm>>) target(%arg13 : memref<128x64xf32, #tpu.memory_space<vmem>>) offsets(%dma_start3A_259 : memref<128xi32, #tpu.memory_space<vmem>>) semaphore(%arg21 : memref<!tpu.dma_semaphore, #tpu.memory_space<semaphore_mem>>)
    }
    %scan3A_46 = arith.constant 12 : i32
    %dma_wait3A = arith.constant 0 : i32
    %dma_wait3A_47 = tpu.memref_slice %arg5[%dma_wait3A] : memref<13312xi32, #tpu.memory_space<vmem>> -> memref<128xi32, #tpu.memory_space<vmem>>
    %dma_wait3A_48 = arith.constant 0 : i32
    %dma_wait3A_49 = arith.constant 0 : i32
    %dma_wait3A_50 = tpu.memref_slice %arg3[%dma_wait3A_48, %dma_wait3A_49] : memref<1000000x64xf32, #tpu.memory_space<hbm>> -> memref<1000000x64xf32, #tpu.memory_space<hbm>>
    tpu.wait_indirect_dma semaphore(%arg14 : memref<!tpu.dma_semaphore, #tpu.memory_space<semaphore_mem>>) src(%dma_wait3A_50 : memref<1000000x64xf32, #tpu.memory_space<hbm>>) dst(%arg6 : memref<128x64xf32, #tpu.memory_space<vmem>>)
    %add3A_51 = arith.constant 12288 : i32
    %add3A_52 = arith.addi %mul3A_2, %add3A_51 : i32
    "tpu.region"() ({
      %run_scoped3A = tpu.sem_alloc : memref<!tpu.dma_semaphore, #tpu.memory_space<semaphore_mem>>
      %dma_start3A_102 = arith.constant 0 : i32
      %dma_start3A_103 = tpu.memref_slice %arg4[%add3A_52, %dma_start3A_102] : memref<425984x64xf32, #tpu.memory_space<hbm>> -> memref<128x64xf32, #tpu.memory_space<hbm>>
      %dma_start3A_104 = arith.constant 0 : i32
      %dma_start3A_105 = tpu.memref_slice %arg4[%add3A_52, %dma_start3A_104] : memref<425984x64xf32, #tpu.memory_space<hbm>> -> memref<128x64xf32, #tpu.memory_space<hbm>>
      tpu.enqueue_dma source(%arg6 : memref<128x64xf32, #tpu.memory_space<vmem>>) target(%dma_start3A_105 : memref<128x64xf32, #tpu.memory_space<hbm>>) target_semaphore(%run_scoped3A : memref<!tpu.dma_semaphore, #tpu.memory_space<semaphore_mem>>)
      %dma_wait3A_106 = arith.constant 0 : i32
      %dma_wait3A_107 = tpu.memref_slice %arg4[%add3A_52, %dma_wait3A_106] : memref<425984x64xf32, #tpu.memory_space<hbm>> -> memref<128x64xf32, #tpu.memory_space<hbm>>
      %dma_wait3A_108 = arith.constant 0 : i32
      %dma_wait3A_109 = tpu.memref_slice %arg4[%add3A_52, %dma_wait3A_108] : memref<425984x64xf32, #tpu.memory_space<hbm>> -> memref<128x64xf32, #tpu.memory_space<hbm>>
      tpu.wait_dma2 semaphore(%run_scoped3A : memref<!tpu.dma_semaphore, #tpu.memory_space<semaphore_mem>>) src(%arg6 : memref<128x64xf32, #tpu.memory_space<vmem>>) dst(%dma_wait3A_109 : memref<128x64xf32, #tpu.memory_space<hbm>>)
      tpu.yield
    }) : () -> ()
    %dma_wait3A_53 = arith.constant 0 : i32
    %dma_wait3A_54 = tpu.memref_slice %arg5[%dma_wait3A_53] : memref<13312xi32, #tpu.memory_space<vmem>> -> memref<128xi32, #tpu.memory_space<vmem>>
    %dma_wait3A_55 = arith.constant 0 : i32
    %dma_wait3A_56 = arith.constant 0 : i32
    %dma_wait3A_57 = tpu.memref_slice %arg3[%dma_wait3A_55, %dma_wait3A_56] : memref<1000000x64xf32, #tpu.memory_space<hbm>> -> memref<1000000x64xf32, #tpu.memory_space<hbm>>
    tpu.wait_indirect_dma semaphore(%arg15 : memref<!tpu.dma_semaphore, #tpu.memory_space<semaphore_mem>>) src(%dma_wait3A_57 : memref<1000000x64xf32, #tpu.memory_space<hbm>>) dst(%arg7 : memref<128x64xf32, #tpu.memory_space<vmem>>)
    %add3A_58 = arith.constant 12416 : i32
    %add3A_59 = arith.addi %mul3A_2, %add3A_58 : i32
    "tpu.region"() ({
      %run_scoped3A = tpu.sem_alloc : memref<!tpu.dma_semaphore, #tpu.memory_space<semaphore_mem>>
      %dma_start3A_102 = arith.constant 0 : i32
      %dma_start3A_103 = tpu.memref_slice %arg4[%add3A_59, %dma_start3A_102] : memref<425984x64xf32, #tpu.memory_space<hbm>> -> memref<128x64xf32, #tpu.memory_space<hbm>>
      %dma_start3A_104 = arith.constant 0 : i32
      %dma_start3A_105 = tpu.memref_slice %arg4[%add3A_59, %dma_start3A_104] : memref<425984x64xf32, #tpu.memory_space<hbm>> -> memref<128x64xf32, #tpu.memory_space<hbm>>
      tpu.enqueue_dma source(%arg7 : memref<128x64xf32, #tpu.memory_space<vmem>>) target(%dma_start3A_105 : memref<128x64xf32, #tpu.memory_space<hbm>>) target_semaphore(%run_scoped3A : memref<!tpu.dma_semaphore, #tpu.memory_space<semaphore_mem>>)
      %dma_wait3A_106 = arith.constant 0 : i32
      %dma_wait3A_107 = tpu.memref_slice %arg4[%add3A_59, %dma_wait3A_106] : memref<425984x64xf32, #tpu.memory_space<hbm>> -> memref<128x64xf32, #tpu.memory_space<hbm>>
      %dma_wait3A_108 = arith.constant 0 : i32
      %dma_wait3A_109 = tpu.memref_slice %arg4[%add3A_59, %dma_wait3A_108] : memref<425984x64xf32, #tpu.memory_space<hbm>> -> memref<128x64xf32, #tpu.memory_space<hbm>>
      tpu.wait_dma2 semaphore(%run_scoped3A : memref<!tpu.dma_semaphore, #tpu.memory_space<semaphore_mem>>) src(%arg7 : memref<128x64xf32, #tpu.memory_space<vmem>>) dst(%dma_wait3A_109 : memref<128x64xf32, #tpu.memory_space<hbm>>)
      tpu.yield
    }) : () -> ()
    %dma_wait3A_60 = arith.constant 0 : i32
    %dma_wait3A_61 = tpu.memref_slice %arg5[%dma_wait3A_60] : memref<13312xi32, #tpu.memory_space<vmem>> -> memref<128xi32, #tpu.memory_space<vmem>>
    %dma_wait3A_62 = arith.constant 0 : i32
    %dma_wait3A_63 = arith.constant 0 : i32
    %dma_wait3A_64 = tpu.memref_slice %arg3[%dma_wait3A_62, %dma_wait3A_63] : memref<1000000x64xf32, #tpu.memory_space<hbm>> -> memref<1000000x64xf32, #tpu.memory_space<hbm>>
    tpu.wait_indirect_dma semaphore(%arg16 : memref<!tpu.dma_semaphore, #tpu.memory_space<semaphore_mem>>) src(%dma_wait3A_64 : memref<1000000x64xf32, #tpu.memory_space<hbm>>) dst(%arg8 : memref<128x64xf32, #tpu.memory_space<vmem>>)
    %add3A_65 = arith.constant 12544 : i32
    %add3A_66 = arith.addi %mul3A_2, %add3A_65 : i32
    "tpu.region"() ({
      %run_scoped3A = tpu.sem_alloc : memref<!tpu.dma_semaphore, #tpu.memory_space<semaphore_mem>>
      %dma_start3A_102 = arith.constant 0 : i32
      %dma_start3A_103 = tpu.memref_slice %arg4[%add3A_66, %dma_start3A_102] : memref<425984x64xf32, #tpu.memory_space<hbm>> -> memref<128x64xf32, #tpu.memory_space<hbm>>
      %dma_start3A_104 = arith.constant 0 : i32
      %dma_start3A_105 = tpu.memref_slice %arg4[%add3A_66, %dma_start3A_104] : memref<425984x64xf32, #tpu.memory_space<hbm>> -> memref<128x64xf32, #tpu.memory_space<hbm>>
      tpu.enqueue_dma source(%arg8 : memref<128x64xf32, #tpu.memory_space<vmem>>) target(%dma_start3A_105 : memref<128x64xf32, #tpu.memory_space<hbm>>) target_semaphore(%run_scoped3A : memref<!tpu.dma_semaphore, #tpu.memory_space<semaphore_mem>>)
      %dma_wait3A_106 = arith.constant 0 : i32
      %dma_wait3A_107 = tpu.memref_slice %arg4[%add3A_66, %dma_wait3A_106] : memref<425984x64xf32, #tpu.memory_space<hbm>> -> memref<128x64xf32, #tpu.memory_space<hbm>>
      %dma_wait3A_108 = arith.constant 0 : i32
      %dma_wait3A_109 = tpu.memref_slice %arg4[%add3A_66, %dma_wait3A_108] : memref<425984x64xf32, #tpu.memory_space<hbm>> -> memref<128x64xf32, #tpu.memory_space<hbm>>
      tpu.wait_dma2 semaphore(%run_scoped3A : memref<!tpu.dma_semaphore, #tpu.memory_space<semaphore_mem>>) src(%arg8 : memref<128x64xf32, #tpu.memory_space<vmem>>) dst(%dma_wait3A_109 : memref<128x64xf32, #tpu.memory_space<hbm>>)
      tpu.yield
    }) : () -> ()
    %dma_wait3A_67 = arith.constant 0 : i32
    %dma_wait3A_68 = tpu.memref_slice %arg5[%dma_wait3A_67] : memref<13312xi32, #tpu.memory_space<vmem>> -> memref<128xi32, #tpu.memory_space<vmem>>
    %dma_wait3A_69 = arith.constant 0 : i32
    %dma_wait3A_70 = arith.constant 0 : i32
    %dma_wait3A_71 = tpu.memref_slice %arg3[%dma_wait3A_69, %dma_wait3A_70] : memref<1000000x64xf32, #tpu.memory_space<hbm>> -> memref<1000000x64xf32, #tpu.memory_space<hbm>>
    tpu.wait_indirect_dma semaphore(%arg17 : memref<!tpu.dma_semaphore, #tpu.memory_space<semaphore_mem>>) src(%dma_wait3A_71 : memref<1000000x64xf32, #tpu.memory_space<hbm>>) dst(%arg9 : memref<128x64xf32, #tpu.memory_space<vmem>>)
    %add3A_72 = arith.constant 12672 : i32
    %add3A_73 = arith.addi %mul3A_2, %add3A_72 : i32
    "tpu.region"() ({
      %run_scoped3A = tpu.sem_alloc : memref<!tpu.dma_semaphore, #tpu.memory_space<semaphore_mem>>
      %dma_start3A_102 = arith.constant 0 : i32
      %dma_start3A_103 = tpu.memref_slice %arg4[%add3A_73, %dma_start3A_102] : memref<425984x64xf32, #tpu.memory_space<hbm>> -> memref<128x64xf32, #tpu.memory_space<hbm>>
      %dma_start3A_104 = arith.constant 0 : i32
      %dma_start3A_105 = tpu.memref_slice %arg4[%add3A_73, %dma_start3A_104] : memref<425984x64xf32, #tpu.memory_space<hbm>> -> memref<128x64xf32, #tpu.memory_space<hbm>>
      tpu.enqueue_dma source(%arg9 : memref<128x64xf32, #tpu.memory_space<vmem>>) target(%dma_start3A_105 : memref<128x64xf32, #tpu.memory_space<hbm>>) target_semaphore(%run_scoped3A : memref<!tpu.dma_semaphore, #tpu.memory_space<semaphore_mem>>)
      %dma_wait3A_106 = arith.constant 0 : i32
      %dma_wait3A_107 = tpu.memref_slice %arg4[%add3A_73, %dma_wait3A_106] : memref<425984x64xf32, #tpu.memory_space<hbm>> -> memref<128x64xf32, #tpu.memory_space<hbm>>
      %dma_wait3A_108 = arith.constant 0 : i32
      %dma_wait3A_109 = tpu.memref_slice %arg4[%add3A_73, %dma_wait3A_108] : memref<425984x64xf32, #tpu.memory_space<hbm>> -> memref<128x64xf32, #tpu.memory_space<hbm>>
      tpu.wait_dma2 semaphore(%run_scoped3A : memref<!tpu.dma_semaphore, #tpu.memory_space<semaphore_mem>>) src(%arg9 : memref<128x64xf32, #tpu.memory_space<vmem>>) dst(%dma_wait3A_109 : memref<128x64xf32, #tpu.memory_space<hbm>>)
      tpu.yield
    }) : () -> ()
    %dma_wait3A_74 = arith.constant 0 : i32
    %dma_wait3A_75 = tpu.memref_slice %arg5[%dma_wait3A_74] : memref<13312xi32, #tpu.memory_space<vmem>> -> memref<128xi32, #tpu.memory_space<vmem>>
    %dma_wait3A_76 = arith.constant 0 : i32
    %dma_wait3A_77 = arith.constant 0 : i32
    %dma_wait3A_78 = tpu.memref_slice %arg3[%dma_wait3A_76, %dma_wait3A_77] : memref<1000000x64xf32, #tpu.memory_space<hbm>> -> memref<1000000x64xf32, #tpu.memory_space<hbm>>
    tpu.wait_indirect_dma semaphore(%arg18 : memref<!tpu.dma_semaphore, #tpu.memory_space<semaphore_mem>>) src(%dma_wait3A_78 : memref<1000000x64xf32, #tpu.memory_space<hbm>>) dst(%arg10 : memref<128x64xf32, #tpu.memory_space<vmem>>)
    %add3A_79 = arith.constant 12800 : i32
    %add3A_80 = arith.addi %mul3A_2, %add3A_79 : i32
    "tpu.region"() ({
      %run_scoped3A = tpu.sem_alloc : memref<!tpu.dma_semaphore, #tpu.memory_space<semaphore_mem>>
      %dma_start3A_102 = arith.constant 0 : i32
      %dma_start3A_103 = tpu.memref_slice %arg4[%add3A_80, %dma_start3A_102] : memref<425984x64xf32, #tpu.memory_space<hbm>> -> memref<128x64xf32, #tpu.memory_space<hbm>>
      %dma_start3A_104 = arith.constant 0 : i32
      %dma_start3A_105 = tpu.memref_slice %arg4[%add3A_80, %dma_start3A_104] : memref<425984x64xf32, #tpu.memory_space<hbm>> -> memref<128x64xf32, #tpu.memory_space<hbm>>
      tpu.enqueue_dma source(%arg10 : memref<128x64xf32, #tpu.memory_space<vmem>>) target(%dma_start3A_105 : memref<128x64xf32, #tpu.memory_space<hbm>>) target_semaphore(%run_scoped3A : memref<!tpu.dma_semaphore, #tpu.memory_space<semaphore_mem>>)
      %dma_wait3A_106 = arith.constant 0 : i32
      %dma_wait3A_107 = tpu.memref_slice %arg4[%add3A_80, %dma_wait3A_106] : memref<425984x64xf32, #tpu.memory_space<hbm>> -> memref<128x64xf32, #tpu.memory_space<hbm>>
      %dma_wait3A_108 = arith.constant 0 : i32
      %dma_wait3A_109 = tpu.memref_slice %arg4[%add3A_80, %dma_wait3A_108] : memref<425984x64xf32, #tpu.memory_space<hbm>> -> memref<128x64xf32, #tpu.memory_space<hbm>>
      tpu.wait_dma2 semaphore(%run_scoped3A : memref<!tpu.dma_semaphore, #tpu.memory_space<semaphore_mem>>) src(%arg10 : memref<128x64xf32, #tpu.memory_space<vmem>>) dst(%dma_wait3A_109 : memref<128x64xf32, #tpu.memory_space<hbm>>)
      tpu.yield
    }) : () -> ()
    %dma_wait3A_81 = arith.constant 0 : i32
    %dma_wait3A_82 = tpu.memref_slice %arg5[%dma_wait3A_81] : memref<13312xi32, #tpu.memory_space<vmem>> -> memref<128xi32, #tpu.memory_space<vmem>>
    %dma_wait3A_83 = arith.constant 0 : i32
    %dma_wait3A_84 = arith.constant 0 : i32
    %dma_wait3A_85 = tpu.memref_slice %arg3[%dma_wait3A_83, %dma_wait3A_84] : memref<1000000x64xf32, #tpu.memory_space<hbm>> -> memref<1000000x64xf32, #tpu.memory_space<hbm>>
    tpu.wait_indirect_dma semaphore(%arg19 : memref<!tpu.dma_semaphore, #tpu.memory_space<semaphore_mem>>) src(%dma_wait3A_85 : memref<1000000x64xf32, #tpu.memory_space<hbm>>) dst(%arg11 : memref<128x64xf32, #tpu.memory_space<vmem>>)
    %add3A_86 = arith.constant 12928 : i32
    %add3A_87 = arith.addi %mul3A_2, %add3A_86 : i32
    "tpu.region"() ({
      %run_scoped3A = tpu.sem_alloc : memref<!tpu.dma_semaphore, #tpu.memory_space<semaphore_mem>>
      %dma_start3A_102 = arith.constant 0 : i32
      %dma_start3A_103 = tpu.memref_slice %arg4[%add3A_87, %dma_start3A_102] : memref<425984x64xf32, #tpu.memory_space<hbm>> -> memref<128x64xf32, #tpu.memory_space<hbm>>
      %dma_start3A_104 = arith.constant 0 : i32
      %dma_start3A_105 = tpu.memref_slice %arg4[%add3A_87, %dma_start3A_104] : memref<425984x64xf32, #tpu.memory_space<hbm>> -> memref<128x64xf32, #tpu.memory_space<hbm>>
      tpu.enqueue_dma source(%arg11 : memref<128x64xf32, #tpu.memory_space<vmem>>) target(%dma_start3A_105 : memref<128x64xf32, #tpu.memory_space<hbm>>) target_semaphore(%run_scoped3A : memref<!tpu.dma_semaphore, #tpu.memory_space<semaphore_mem>>)
      %dma_wait3A_106 = arith.constant 0 : i32
      %dma_wait3A_107 = tpu.memref_slice %arg4[%add3A_87, %dma_wait3A_106] : memref<425984x64xf32, #tpu.memory_space<hbm>> -> memref<128x64xf32, #tpu.memory_space<hbm>>
      %dma_wait3A_108 = arith.constant 0 : i32
      %dma_wait3A_109 = tpu.memref_slice %arg4[%add3A_87, %dma_wait3A_108] : memref<425984x64xf32, #tpu.memory_space<hbm>> -> memref<128x64xf32, #tpu.memory_space<hbm>>
      tpu.wait_dma2 semaphore(%run_scoped3A : memref<!tpu.dma_semaphore, #tpu.memory_space<semaphore_mem>>) src(%arg11 : memref<128x64xf32, #tpu.memory_space<vmem>>) dst(%dma_wait3A_109 : memref<128x64xf32, #tpu.memory_space<hbm>>)
      tpu.yield
    }) : () -> ()
    %dma_wait3A_88 = arith.constant 0 : i32
    %dma_wait3A_89 = tpu.memref_slice %arg5[%dma_wait3A_88] : memref<13312xi32, #tpu.memory_space<vmem>> -> memref<128xi32, #tpu.memory_space<vmem>>
    %dma_wait3A_90 = arith.constant 0 : i32
    %dma_wait3A_91 = arith.constant 0 : i32
    %dma_wait3A_92 = tpu.memref_slice %arg3[%dma_wait3A_90, %dma_wait3A_91] : memref<1000000x64xf32, #tpu.memory_space<hbm>> -> memref<1000000x64xf32, #tpu.memory_space<hbm>>
    tpu.wait_indirect_dma semaphore(%arg20 : memref<!tpu.dma_semaphore, #tpu.memory_space<semaphore_mem>>) src(%dma_wait3A_92 : memref<1000000x64xf32, #tpu.memory_space<hbm>>) dst(%arg12 : memref<128x64xf32, #tpu.memory_space<vmem>>)
    %add3A_93 = arith.constant 13056 : i32
    %add3A_94 = arith.addi %mul3A_2, %add3A_93 : i32
    "tpu.region"() ({
      %run_scoped3A = tpu.sem_alloc : memref<!tpu.dma_semaphore, #tpu.memory_space<semaphore_mem>>
      %dma_start3A_102 = arith.constant 0 : i32
      %dma_start3A_103 = tpu.memref_slice %arg4[%add3A_94, %dma_start3A_102] : memref<425984x64xf32, #tpu.memory_space<hbm>> -> memref<128x64xf32, #tpu.memory_space<hbm>>
      %dma_start3A_104 = arith.constant 0 : i32
      %dma_start3A_105 = tpu.memref_slice %arg4[%add3A_94, %dma_start3A_104] : memref<425984x64xf32, #tpu.memory_space<hbm>> -> memref<128x64xf32, #tpu.memory_space<hbm>>
      tpu.enqueue_dma source(%arg12 : memref<128x64xf32, #tpu.memory_space<vmem>>) target(%dma_start3A_105 : memref<128x64xf32, #tpu.memory_space<hbm>>) target_semaphore(%run_scoped3A : memref<!tpu.dma_semaphore, #tpu.memory_space<semaphore_mem>>)
      %dma_wait3A_106 = arith.constant 0 : i32
      %dma_wait3A_107 = tpu.memref_slice %arg4[%add3A_94, %dma_wait3A_106] : memref<425984x64xf32, #tpu.memory_space<hbm>> -> memref<128x64xf32, #tpu.memory_space<hbm>>
      %dma_wait3A_108 = arith.constant 0 : i32
      %dma_wait3A_109 = tpu.memref_slice %arg4[%add3A_94, %dma_wait3A_108] : memref<425984x64xf32, #tpu.memory_space<hbm>> -> memref<128x64xf32, #tpu.memory_space<hbm>>
      tpu.wait_dma2 semaphore(%run_scoped3A : memref<!tpu.dma_semaphore, #tpu.memory_space<semaphore_mem>>) src(%arg12 : memref<128x64xf32, #tpu.memory_space<vmem>>) dst(%dma_wait3A_109 : memref<128x64xf32, #tpu.memory_space<hbm>>)
      tpu.yield
    }) : () -> ()
    %dma_wait3A_95 = arith.constant 0 : i32
    %dma_wait3A_96 = tpu.memref_slice %arg5[%dma_wait3A_95] : memref<13312xi32, #tpu.memory_space<vmem>> -> memref<128xi32, #tpu.memory_space<vmem>>
    %dma_wait3A_97 = arith.constant 0 : i32
    %dma_wait3A_98 = arith.constant 0 : i32
    %dma_wait3A_99 = tpu.memref_slice %arg3[%dma_wait3A_97, %dma_wait3A_98] : memref<1000000x64xf32, #tpu.memory_space<hbm>> -> memref<1000000x64xf32, #tpu.memory_space<hbm>>
    tpu.wait_indirect_dma semaphore(%arg21 : memref<!tpu.dma_semaphore, #tpu.memory_space<semaphore_mem>>) src(%dma_wait3A_99 : memref<1000000x64xf32, #tpu.memory_space<hbm>>) dst(%arg13 : memref<128x64xf32, #tpu.memory_space<vmem>>)
    %add3A_100 = arith.constant 13184 : i32
    %add3A_101 = arith.addi %mul3A_2, %add3A_100 : i32
    "tpu.region"() ({
      %run_scoped3A = tpu.sem_alloc : memref<!tpu.dma_semaphore, #tpu.memory_space<semaphore_mem>>
      %dma_start3A_102 = arith.constant 0 : i32
      %dma_start3A_103 = tpu.memref_slice %arg4[%add3A_101, %dma_start3A_102] : memref<425984x64xf32, #tpu.memory_space<hbm>> -> memref<128x64xf32, #tpu.memory_space<hbm>>
      %dma_start3A_104 = arith.constant 0 : i32
      %dma_start3A_105 = tpu.memref_slice %arg4[%add3A_101, %dma_start3A_104] : memref<425984x64xf32, #tpu.memory_space<hbm>> -> memref<128x64xf32, #tpu.memory_space<hbm>>
      tpu.enqueue_dma source(%arg13 : memref<128x64xf32, #tpu.memory_space<vmem>>) target(%dma_start3A_105 : memref<128x64xf32, #tpu.memory_space<hbm>>) target_semaphore(%run_scoped3A : memref<!tpu.dma_semaphore, #tpu.memory_space<semaphore_mem>>)
      %dma_wait3A_106 = arith.constant 0 : i32
      %dma_wait3A_107 = tpu.memref_slice %arg4[%add3A_101, %dma_wait3A_106] : memref<425984x64xf32, #tpu.memory_space<hbm>> -> memref<128x64xf32, #tpu.memory_space<hbm>>
      %dma_wait3A_108 = arith.constant 0 : i32
      %dma_wait3A_109 = tpu.memref_slice %arg4[%add3A_101, %dma_wait3A_108] : memref<425984x64xf32, #tpu.memory_space<hbm>> -> memref<128x64xf32, #tpu.memory_space<hbm>>
      tpu.wait_dma2 semaphore(%run_scoped3A : memref<!tpu.dma_semaphore, #tpu.memory_space<semaphore_mem>>) src(%arg13 : memref<128x64xf32, #tpu.memory_space<vmem>>) dst(%dma_wait3A_109 : memref<128x64xf32, #tpu.memory_space<hbm>>)
      tpu.yield
    }) : () -> ()
    return
  }
}

</mosaic_0001>

<sc_bundles>
// kernel: kernel.3.cloned.1.call-start
scs
__scs_entry_jumppad:
0x0: {  	(pc) =	sbr.rel $0x88, $3  }
0x1: {  	(tag) =	ssettag $0x0;
	lr =	simm.s32 $0x1  }
0x2: {  	[smem:$0x3F9F] =	sst lr;
	_ =	strace $0xD0000000  }
0x3: {  	_ = 	snop  }
0x4: {  	_ = 	snop  }
0x5: {  	_ = 	snop  }
0x6: {  	_ = 	snop  }
0x7: {  	_ = 	snop  }
__scs_overlays_trampoline_lowered:
0x8: {  	[smem:$0x3FAE] =	sst s0  }
0x9: {  	[smem:$0x3FAF] =	sst s1  }
0xa: {  	[smem:$0x3FB0] =	sst s2  }
0xb: {  	[smem:$0x3FB1] =	sst s3  }
0xc: {  	[smem:$0x3FB2] =	sst s4  }
0xd: {  	[smem:$0x3FB3] =	sst s5  }
0xe: {  	[smem:$0x3FB4] =	sst s6  }
0xf: {  	[smem:$0x3FB5] =	sst s7  }
0x10: {  	[smem:$0x3FB6] =	sst s8  }
0x11: {  	[smem:$0x3FB7] =	sst s9;
	s0 =	simm.s32 @!p0 $0x0  }
0x12: {  	s1 =	sld [smem:$0x3F9D];
	s0 =	simm.s32 @p0 $0x1  }
0x13: {  	[smem:$0x3FB8] =	sst s0;
	s0 =	simm.s32 @!p1 $0x0  }
0x14: {  	s2 =	sld [smem:$0x3F9C];
	s0 =	simm.s32 @p1 $0x1  }
0x15: {  	[smem:$0x3FB9] =	sst s0;
	s0 =	simm.s32 @!p2 $0x0  }
0x16: {  	s3 =	sld [smem:$0x3FDB];
	s0 =	simm.s32 @p2 $0x1  }
0x17: {  	s4 =	simm.s32 $0x1BF5;
	[smem:$0x3FBB] =	sst s0  }
0x18: {  	s0 =	sld [smem:$0x3F9E];
	_ =	swait.ge [sflag:s4], $0x0  }
0x19: {  	s7 =	sld [smem:$0x3F9F]  }
0x1a: {  	s8 =	sadd.s32 $0xFFFFE003, lr  }
0x1b: {  	s9 =	sadd.s32 $0xFFFFFEF7, lr;
	s5 =	simm.s32 $0xFFFFFFFF;
	p2 =	slt.u32 s8, $0xFFFFF086  }
0x1c: {  	p1 =	slt.u32 s9, $0xF7A;
	s5 =	simm.s32 @!p2 $0x0  }
0x1d: {  	s5 =	simm.s32 @p1 $0x1;
	p0 =	seq.s32 s7, s2  }
0x1e: {  	s7 =	smul.u32 @!p0 $0xF7A, s2;
	p2 =	seq.s32 @!p0 s5, $0x0  }
0x1f: {  	s9 =	smul.u32 $0xF7A, s1;
	s8 =	simm.s32 @!p0 $0x1BF5;
	p2 =	por !p2, p0  }
0x20: {  	[sflag:s8] =	ssyncset.s32 @!p0 $0xFFFFF086;
	s6 =	sadd.s32 @!p0 s3, s7;
	s7 =	simm.s32 @!p0 $0x108  }
0x21: {  	s3 =	sadd.s32 s3, s9;
	s6 =	sadd.s32 @!p0 $0x88, s6;
	s7 =	simm.s32 @p2 $0x1082  }
0x22: {  	[simem:s7], [sflag:s8] =	dma.local @!p0 [hbm:s6], $0xF7A  }
0x23: {  	s9 =	sor.u32 $0xD0000000, s2;
	s6 =	simm.s32 $0x108;
	_ =	swait.ge @!p0 [sflag:s8], $0x0  }
0x24: {  	s3 =	sadd.s32 $0x88, s3;
	s6 =	simm.s32 @!p1 $0x1082;
	[sflag:s4] =	ssyncset.s32 $0xFFFFF086  }
0x25: {  	[simem:s6], [sflag:s4] =	dma.local [hbm:s3], $0xF7A  }
0x26: {  	[smem:$0x3F9F] =	sst s1;
	(tag) =	ssettag s2;
	_ =	strace s9  }
0x27: {  	s1 =	sld [smem:$0x3FAF]  }
0x28: {  	s2 =	sld [smem:$0x3FB0]  }
0x29: {  	s4 =	sld [smem:$0x3FB2]  }
0x2a: {  	p0 =	seq.s32 s5, $0x0;
	s5 =	sld [smem:$0x3FB3]  }
0x2b: {  	s6 =	sld [smem:$0x3FB4]  }
0x2c: {  	s7 =	sld [smem:$0x3FB5]  }
0x2d: {  	s3 =	simm.s32 $0x108;
	s8 =	sld [smem:$0x3FB6]  }
0x2e: {  	s3 =	simm.s32 @!p0 $0x1082;
	s9 =	sld [smem:$0x3FB7]  }
0x2f: {  	lr =	sadd.s32 s0, s3;
	s0 =	sld [smem:$0x3FAE]  }
0x30: {  	s3 =	sld [smem:$0x3FB1]  }
0x31: {  	[smem:$0x3FBA] =	sst s10  }
0x32: {  	s10 =	sld [smem:$0x3FB8];
	_ =	sdelay $0x3  }
0x33: {  	p0 =	seq.s32 s10, $0x1;
	s10 =	sld [smem:$0x3FBA];
	_ =	sdelay $0x3  }
0x34: {  	[smem:$0x3FBA] =	sst s10  }
0x35: {  	s10 =	sld [smem:$0x3FB9];
	_ =	sdelay $0x3  }
0x36: {  	p1 =	seq.s32 s10, $0x1;
	s10 =	sld [smem:$0x3FBA];
	_ =	sdelay $0x3  }
0x37: {  	[smem:$0x3FBA] =	sst s10  }
0x38: {  	s10 =	sld [smem:$0x3FBB]  }
0x39: {  	_ = 	snop;
	(pc) =	sbr.ind lr, $3  }
0x3a: {  	_ = 	snop  }
0x3b: {  	_ = 	snop  }
0x3c: {  	p2 =	seq.s32 s10, $0x1;
	s10 =	sld [smem:$0x3FBA]  }
0x3d: {  	_ =	shalt  }
0x3e: {  	_ =	shalt  }
0x3f: {  	_ =	shalt  }
0x40: {  	_ =	shalt  }
0x41: {  	_ =	shalt  }
0x42: {  	_ =	shalt  }
0x43: {  	_ =	shalt  }
0x44: {  	_ =	shalt  }
0x45: {  	_ =	shalt  }
0x46: {  	_ =	shalt  }
0x47: {  	_ =	shalt  }
0x48: {  	_ =	shalt  }
0x49: {  	_ =	shalt  }
0x4a: {  	_ =	shalt  }
0x4b: {  	_ =	shalt  }
0x4c: {  	_ =	shalt  }
0x4d: {  	_ =	shalt  }
0x4e: {  	_ =	shalt  }
0x4f: {  	_ =	shalt  }
0x50: {  	_ =	shalt  }
0x51: {  	_ =	shalt  }
0x52: {  	_ =	shalt  }
0x53: {  	_ =	shalt  }
0x54: {  	_ =	shalt  }
0x55: {  	_ =	shalt  }
0x56: {  	_ =	shalt  }
0x57: {  	_ =	shalt  }
0x58: {  	_ =	shalt  }
0x59: {  	_ =	shalt  }
0x5a: {  	_ =	shalt  }
0x5b: {  	_ =	shalt  }
0x5c: {  	_ =	shalt  }
0x5d: {  	_ =	shalt  }
0x5e: {  	_ =	shalt  }
0x5f: {  	_ =	shalt  }
0x60: {  	_ =	shalt  }
0x61: {  	_ =	shalt  }
0x62: {  	_ =	shalt  }
0x63: {  	_ =	shalt  }
0x64: {  	_ =	shalt  }
0x65: {  	_ =	shalt  }
0x66: {  	_ =	shalt  }
0x67: {  	_ =	shalt  }
0x68: {  	_ =	shalt  }
0x69: {  	_ =	shalt  }
0x6a: {  	_ =	shalt  }
0x6b: {  	_ =	shalt  }
0x6c: {  	_ =	shalt  }
0x6d: {  	_ =	shalt  }
0x6e: {  	_ =	shalt  }
0x6f: {  	_ =	shalt  }
0x70: {  	_ =	shalt  }
0x71: {  	_ =	shalt  }
0x72: {  	_ =	shalt  }
0x73: {  	_ =	shalt  }
0x74: {  	_ =	shalt  }
0x75: {  	_ =	shalt  }
0x76: {  	_ =	shalt  }
0x77: {  	_ =	shalt  }
0x78: {  	_ =	shalt  }
0x79: {  	_ =	shalt  }
0x7a: {  	_ =	shalt  }
0x7b: {  	_ =	shalt  }
0x7c: {  	_ =	shalt  }
0x7d: {  	_ =	shalt  }
0x7e: {  	_ =	shalt  }
0x7f: {  	_ =	shalt  }
0x80: {  	_ =	shalt  }
0x81: {  	_ =	shalt  }
0x82: {  	_ =	shalt  }
0x83: {  	_ =	shalt  }
0x84: {  	_ =	shalt  }
0x85: {  	_ =	shalt  }
0x86: {  	_ =	shalt  }
0x87: {  	_ =	shalt  }
.Lfunc_end0:
.L_simem_size_0:
called_computation.1_lowered:
.L_overlay_start_0:
0x88: {  	s2 =	sld [smem:$0x3FD9]  }
0x89: {  	s3 =	sld [smem:$0x3FFE];
	_ =	sdelay $0x1  }
0x8a: {  	s1 =	srdreg.scid  }
0x8b: {  	s0 =	sand.u32 $0x1, s1  }
0x8c: {  	s17 =	sshll.u32 s0, $0xA;
	s2 =	sadd.s32 s3, s2  }
0x8d: {  	s2 =	sadd.s32 s2, s17  }
0x8e: {  	[smem:$0x3FC6] =	sst s2  }
0x8f: {  	_ = 	snop  }
0x90: {  	s2 =	sld [smem:$0x3FD0];
	(tm) =	ssettm $0x1  }
0x91: {  	s18 =	sld [smem:$0x3FFB];
	_ =	sdelay $0x3  }
0x92: {  	_ =	strace s18  }
0x93: {  	s3 =	sld [smem:$0x3FFC];
	_ =	sdelay $0x3  }
0x94: {  	_ =	strace s3  }
0x95: {  	s3 =	sld [smem:$0x3FFD];
	_ =	sdelay $0x3  }
0x96: {  	_ =	strace s3  }
0x97: {  	_ =	strace $0x8FFFFFFF  }
0x98: {  	s19 =	sld [smem:$0x3FDB];
	_ =	sdelay $0x1  }
0x99: {  	s4 =	simm.s32 $_scs_section_size  }
0x9a: {  	s5 =	simm.s32 $_size__tile_overlayer_lowered;
	s6 =	simm.s32 $_tile_overlayer_lowered  }
0x9b: {  	s22 =	simm.s32 $0x1BFF;
	s21 =	sshll.u32 s6, $0x1;
	s3 =	sadd.s32 s4, s19  }
0x9c: {  	s7 =	simm.s32 $0x0;
	s20 =	sshll.u32 s5, $0x1;
	s5 =	sadd.s32 s21, s3  }
0x9d: {  	[timem:s7], [sflag:s22] =	dma.local [hbm:s5], s20  }
0x9e: {  	_ =	swait.ge [sflag:s22], s20  }
0x9f: {  	s4 =	ssub.s32 $0x0, s20;
	[sflag:s22] =	ssyncset.done $0x0  }
0xa0: {  	[sflag:s22] =	ssyncadd.s32 s4;
	_ =	sdelay $0x1  }
0xa1: {  	s23 =	simm.s32 $0x1B8B  }
0xa2: {  	_ =	swait.ge [sflag:s23], $0x1  }
0xa3: {  	[sflag:s23] =	ssyncset.done $0x0  }
0xa4: {  	s25 =	simm.s32 $0x1B8E;
	s24 =	sld [smem:$0x3FFE];
	[sflag:s23] =	ssyncadd.s32 $0xFFFFFFFF  }
0xa5: {  	s26 =	simm.s32 $execute0_lowered;
	[smem:$0x3FD2] =	sst s25  }
0xa6: {  	s5 =	sshll.u32 s26, $0x1;
	_ =	strace $0x80000046;
	[dreg:$0x1] =	wrdreg $0xFFFFFFFF  }
0xa7: {  	s28 =	simm.s32 $_size_execute0_lowered;
	s3 =	sadd.s32 s3, s5;
	[dreg:$0x0] =	wrdreg $0x0  }
0xa8: {  	s5 =	sshll.u32 s28, $0x1;
	[dreg:$0x2] =	wrdreg s3  }
0xa9: {  	[dreg:$0x3] =	wrdreg s5  }
0xaa: {  	[dreg:$0x4] =	wrdreg $0xC0  }
0xab: {  	_ =	task [dreg:s7], $0x5FFFF  }
0xac: {  	[dreg:$0x1] =	wrdreg $0xFFFFFFFF  }
0xad: {  	[dreg:$0x0] =	wrdreg $0x60  }
0xae: {  	[dreg:$0x2] =	wrdreg s24  }
0xaf: {  	[dreg:$0x3] =	wrdreg s2  }
0xb0: {  	[dreg:$0x4] =	wrdreg $0x9  }
0xb1: {  	_ =	task.clear_ibuf [dreg:s7], $0x5FFFF;
	_ =	strace $0x90000046  }
0xb2: {  	s29 =	simm.s32 $0x9;
	_ =	strace $0x80000048  }
0xb3: {  	_ =	swait.ge [sflag:s29], $0x1  }
0xb4: {  	[sflag:s29] =	ssyncadd.s32 $0xFFFFFFFF  }
0xb5: {  	_ =	strace $0x90000048  }
0xb6: {  	_ =	sfence  }
0xb7: {  	s30 =	sld [smem:$0x0];
	_ =	sdelay $0x2  }
0xb8: {  	s31 =	sshll.u32 s1, $0xD;
	s1 =	sshrl.u32 s1, $0x2  }
0xb9: {  	s3 =	sand.u32 $0x4000, s31;
	s1 =	sadd.s32 s1, s30  }
0xba: {  	s0 =	sor.u32 s3, s0;
	s1 =	sshll.u32 s1, $0x11  }
0xbb: {  	s0 =	sor.u32 s1, s0  }
0xbc: {  	s0 =	sadd.s32 $0x8F2B, s0  }
0xbd: {  	[sflag:s0] =	ssyncadd.remote.s32 $0x1  }
0xbe: {  	_ =	sfence.sel $0xFFFF  }
0xbf: {  	[dreg:$0x0] =	wrdreg $0xFFFFFFFF;
	(pc) =	sbr.abs _section_cstart, $3  }
0xc0: {  	[dreg:$0x1] =	wrdreg $0xFFFFFFFF  }
0xc1: {  	_ =	task.clear_ibuf [dreg:s7], $0x2FFFF;
	_ =	strace $0x9FFFFFFF  }
0xc2: {  	(tm) =	ssettm $0x7FFFFFFF  }
0xc3: {  	_ =	shalt  }
tec
execute0_lowered:
.L_overlay_start_1:
0x0: {  	(tag) =	ssettag $0x1  }
0x1: {  	s0 =	srdreg.scid;
	s3 =	rddreg [dreg:$0x0]  }
0x2: {  	s9 =	stileid.u32;
	s4 =	rddreg [dreg:$0x1]  }
0x3: {  	s2 =	simm.s32 $0x0;
	s14 =	simm.s32 $0x9;
	s15 =	simm.s32 $0x80  }
0x4: {  	s28 =	simm.s32 $0xF400;
	s30 =	simm.s32 $0x11400;
	s6 =	smul.u32 $0x1A0000, s9  }
0x5: {  	s0 =	sand.u32 $0x1, s0;
	s1 =	sshll.u32 s9, $0x1;
	s9 =	smul.u32 $0x6800, s9  }
0x6: {  	s31 =	simm.s32 $0x1;
	s1 =	sor.u32 s0, s1;
	s7 =	smul.u32 $0xD0000, s0  }
0x7: {  	s29 =	simm.s32 $0x0;
	[smem:$0x7FF] =	sst s2;
	s5 =	smul.u32 $0x3400, s1  }
0x8: {  	_ =	strace $0x80000047;
	s8 =	ssub.s32 $0x2, s0;
	s1 =	smul.u32 $0xD0000, s1  }
0x9: {  	s0 =	smul.u32 $0x3400, s0;
	s10 =	sshrl.u32 s8, $0x1;
	s5 =	sshrl.u32 s5, $0x3  }
0xa: {  	s13 =	ssub.s32 s8, s10;
	s1 =	sshrl.u32 s1, $0x3;
	s5 =	sadd.s32 s5, s3  }
0xb: {  	s16 =	sadd.s32 s7, s6;
	s1 =	sadd.s32 s4, s1;
	s5 =	sadd.s32 $0xA00, s5  }
0xc: {  	s0 =	sadd.s32 s0, s9;
	s17 =	sadd.s32 $0x18000, s1;
	[dreg:$0xb] =	wrdreg s5  }
0xd: {  	s0 =	sshll.u32 s0, $0x3;
	s18 =	sadd.s32 $0x18400, s1;
	[dreg:$0xc] =	wrdreg s17  }
0xe: {  	s0 =	sadd.s32 s0, s4;
	s20 =	sadd.s32 $0x18800, s1;
	[dreg:$0xd] =	wrdreg s18  }
0xf: {  	s13 =	smax.u32 s13, $0x1;
	s19 =	sadd.s32 $0x1C00, s0;
	[dreg:$0xe] =	wrdreg s20  }
0x10: {  	s3 =	sadd.s32 $0xF42E00, s3;
	s22 =	sadd.s32 $0x18C00, s1;
	[dreg:$0x4] =	wrdreg s19  }
0x11: {  	s21 =	sadd.s32 $0x1800, s0;
	s23 =	sadd.s32 $0x1400, s0;
	[dreg:$0xf] =	wrdreg s22  }
0x12: {  	s9 =	sadd.s32 $0x19000, s1;
	s24 =	sadd.s32 $0x1000, s0;
	[dreg:$0x5] =	wrdreg s21  }
0x13: {  	s10 =	sadd.s32 $0x19400, s1;
	s25 =	sadd.s32 $0xC00, s0;
	[dreg:$0x6] =	wrdreg s23  }
0x14: {  	s11 =	sadd.s32 $0x19800, s1;
	s26 =	sadd.s32 $0x800, s0;
	[dreg:$0x7] =	wrdreg s24  }
0x15: {  	s12 =	sadd.s32 $0x19C00, s1;
	s0 =	sadd.s32 $0x400, s0;
	[dreg:$0x8] =	wrdreg s25  }
0x16: {  	s1 =	simm.s32 $0x2;
	s5 =	sshrl.u32 s16, $0x3;
	[dreg:$0x9] =	wrdreg s26  }
0x17: {  	[dreg:$0xa] =	wrdreg s0;
	s16 =	simm.s32 $0x3400;
	s17 =	simm.s32 $0x5400  }
0x18: {  	s19 =	simm.s32 $0x7400;
	s21 =	simm.s32 $0x9400;
	s23 =	simm.s32 $0xB400  }
0x19: {  	s25 =	simm.s32 $0xD400;
	s0 =	simm.s32 $0x3;
	s18 =	simm.s32 $0x4  }
0x1a: {  	s20 =	simm.s32 $0x5;
	s22 =	simm.s32 $0x6;
	s5 =	sadd.s32 s5, s4  }
0x1b: {  	s24 =	simm.s32 $0x7;
	s26 =	simm.s32 $0x8;
	[dreg:$0x3] =	wrdreg s5  }
.LBB2_1:
0x1c: {  	s4 =	rddreg [dreg:$0xb]  }
0x1d: {  	[tilespmem:s2], [sflag:$0x9] =	stream.linear.gather [hbm4b:s4+s2], $0x3400, $0x38;
	[tilespmem:$0x13400] =	vst v63  }
0x1e: {  	_ =	swait.ge [sflag:s14], $0x3400  }
0x1f: {  	[sflag:s14] =	ssyncset.done $0x0  }
0x20: {  	[sflag:s14] =	ssyncadd.s32 $0xFFFFCC00  }
0x21: {  	[tilespmem:s16], [sflag:$0x1] =	stream.indirect.gather [hbm4b:s3+s15], $0x40, s2, s15, $0xb8;
	[tilespmem:$0x13400] =	vst v63  }
0x22: {  	_ = 	snop  }
0x23: {  	[tilespmem:s17], [sflag:$0x2] =	stream.indirect.gather [hbm4b:s3+s15], $0x40, s15, s15, $0xb8;
	[tilespmem:$0x13400] =	vst v63  }
0x24: {  	s8 =	simm.s32 $0x100  }
0x25: {  	[tilespmem:s19], [sflag:$0x3] =	stream.indirect.gather [hbm4b:s3+s15], $0x40, s8, s15, $0xb8;
	[tilespmem:$0x13400] =	vst v63  }
0x26: {  	s5 =	simm.s32 $0x180  }
0x27: {  	[tilespmem:s21], [sflag:$0x4] =	stream.indirect.gather [hbm4b:s3+s15], $0x40, s5, s15, $0xb8;
	[tilespmem:$0x13400] =	vst v63  }
0x28: {  	s6 =	simm.s32 $0x200  }
0x29: {  	[tilespmem:s23], [sflag:$0x5] =	stream.indirect.gather [hbm4b:s3+s15], $0x40, s6, s15, $0xb8;
	[tilespmem:$0x13400] =	vst v63  }
0x2a: {  	s7 =	simm.s32 $0x280  }
0x2b: {  	[tilespmem:s25], [sflag:$0x6] =	stream.indirect.gather [hbm4b:s3+s15], $0x40, s7, s15, $0xb8;
	[tilespmem:$0x13400] =	vst v63  }
0x2c: {  	s8 =	simm.s32 $0x300  }
0x2d: {  	[tilespmem:s28], [sflag:$0x7] =	stream.indirect.gather [hbm4b:s3+s15], $0x40, s8, s15, $0xb8;
	[tilespmem:$0x13400] =	vst v63  }
0x2e: {  	s5 =	simm.s32 $0x380  }
0x2f: {  	[tilespmem:s30], [sflag:$0x8] =	stream.indirect.gather [hbm4b:s3+s15], $0x40, s5, s15, $0xb8;
	[tilespmem:$0x13400] =	vst v63  }
0x30: {  	_ =	swait.ge [sflag:s31], $0x2000  }
0x31: {  	s6 =	rddreg [dreg:$0x3];
	[sflag:s31] =	ssyncset.done $0x0  }
0x32: {  	[sflag:s31] =	ssyncadd.s32 $0xFFFFE000;
	s4 =	sadd.s32 $0x0, s6  }
0x33: {  	[hbm4b:s4+s2] =	stream.linear.scatter [tilespmem:s16], [sflag:$0x9], $0x2000, $0x38;
	[tilespmem:$0x13400] =	vst v63  }
0x34: {  	_ =	swait.ge [sflag:s14], $0x2000  }
0x35: {  	[sflag:s14] =	ssyncset.done $0x0  }
0x36: {  	s7 =	simm.s32 $0x400;
	[sflag:s14] =	ssyncadd.s32 $0xFFFFE000  }
0x37: {  	[tilespmem:s16], [sflag:$0x1] =	stream.indirect.gather [hbm4b:s3+s15], $0x40, s7, s15, $0xb8;
	[tilespmem:$0x13400] =	vst v63  }
0x38: {  	_ =	swait.ge [sflag:s1], $0x2000  }
0x39: {  	s8 =	rddreg [dreg:$0xa];
	[sflag:s1] =	ssyncset.done $0x0  }
0x3a: {  	[sflag:s1] =	ssyncadd.s32 $0xFFFFE000;
	s4 =	sadd.s32 $0x0, s8  }
0x3b: {  	[hbm4b:s4+s2] =	stream.linear.scatter [tilespmem:s17], [sflag:$0x9], $0x2000, $0x38;
	[tilespmem:$0x13400] =	vst v63  }
0x3c: {  	_ =	swait.ge [sflag:s14], $0x2000  }
0x3d: {  	[sflag:s14] =	ssyncset.done $0x0  }
0x3e: {  	s5 =	simm.s32 $0x480;
	[sflag:s14] =	ssyncadd.s32 $0xFFFFE000  }
0x3f: {  	[tilespmem:s17], [sflag:$0x2] =	stream.indirect.gather [hbm4b:s3+s15], $0x40, s5, s15, $0xb8;
	[tilespmem:$0x13400] =	vst v63  }
0x40: {  	_ =	swait.ge [sflag:s0], $0x2000  }
0x41: {  	s6 =	rddreg [dreg:$0x9];
	[sflag:s0] =	ssyncset.done $0x0  }
0x42: {  	[sflag:s0] =	ssyncadd.s32 $0xFFFFE000;
	s4 =	sadd.s32 $0x0, s6  }
0x43: {  	[hbm4b:s4+s2] =	stream.linear.scatter [tilespmem:s19], [sflag:$0x9], $0x2000, $0x38;
	[tilespmem:$0x13400] =	vst v63  }
0x44: {  	_ =	swait.ge [sflag:s14], $0x2000  }
0x45: {  	[sflag:s14] =	ssyncset.done $0x0  }
0x46: {  	s7 =	simm.s32 $0x500;
	[sflag:s14] =	ssyncadd.s32 $0xFFFFE000  }
0x47: {  	[tilespmem:s19], [sflag:$0x3] =	stream.indirect.gather [hbm4b:s3+s15], $0x40, s7, s15, $0xb8;
	[tilespmem:$0x13400] =	vst v63  }
0x48: {  	_ =	swait.ge [sflag:s18], $0x2000  }
0x49: {  	s8 =	rddreg [dreg:$0x8];
	[sflag:s18] =	ssyncset.done $0x0  }
0x4a: {  	[sflag:s18] =	ssyncadd.s32 $0xFFFFE000;
	s4 =	sadd.s32 $0x0, s8  }
0x4b: {  	[hbm4b:s4+s2] =	stream.linear.scatter [tilespmem:s21], [sflag:$0x9], $0x2000, $0x38;
	[tilespmem:$0x13400] =	vst v63  }
0x4c: {  	_ =	swait.ge [sflag:s14], $0x2000  }
0x4d: {  	[sflag:s14] =	ssyncset.done $0x0  }
0x4e: {  	s5 =	simm.s32 $0x580;
	[sflag:s14] =	ssyncadd.s32 $0xFFFFE000  }
0x4f: {  	[tilespmem:s21], [sflag:$0x4] =	stream.indirect.gather [hbm4b:s3+s15], $0x40, s5, s15, $0xb8;
	[tilespmem:$0x13400] =	vst v63  }
0x50: {  	_ =	swait.ge [sflag:s20], $0x2000  }
0x51: {  	s6 =	rddreg [dreg:$0x7];
	[sflag:s20] =	ssyncset.done $0x0  }
0x52: {  	[sflag:s20] =	ssyncadd.s32 $0xFFFFE000;
	s4 =	sadd.s32 $0x0, s6  }
0x53: {  	[hbm4b:s4+s2] =	stream.linear.scatter [tilespmem:s23], [sflag:$0x9], $0x2000, $0x38;
	[tilespmem:$0x13400] =	vst v63  }
0x54: {  	_ =	swait.ge [sflag:s14], $0x2000  }
0x55: {  	[sflag:s14] =	ssyncset.done $0x0  }
0x56: {  	s7 =	simm.s32 $0x600;
	[sflag:s14] =	ssyncadd.s32 $0xFFFFE000  }
0x57: {  	[tilespmem:s23], [sflag:$0x5] =	stream.indirect.gather [hbm4b:s3+s15], $0x40, s7, s15, $0xb8;
	[tilespmem:$0x13400] =	vst v63  }
0x58: {  	_ =	swait.ge [sflag:s22], $0x2000  }
0x59: {  	s8 =	rddreg [dreg:$0x6];
	[sflag:s22] =	ssyncset.done $0x0  }
0x5a: {  	[sflag:s22] =	ssyncadd.s32 $0xFFFFE000;
	s4 =	sadd.s32 $0x0, s8  }
0x5b: {  	[hbm4b:s4+s2] =	stream.linear.scatter [tilespmem:s25], [sflag:$0x9], $0x2000, $0x38;
	[tilespmem:$0x13400] =	vst v63  }
0x5c: {  	_ =	swait.ge [sflag:s14], $0x2000  }
0x5d: {  	[sflag:s14] =	ssyncset.done $0x0  }
0x5e: {  	s5 =	simm.s32 $0x680;
	[sflag:s14] =	ssyncadd.s32 $0xFFFFE000  }
0x5f: {  	[tilespmem:s25], [sflag:$0x6] =	stream.indirect.gather [hbm4b:s3+s15], $0x40, s5, s15, $0xb8;
	[tilespmem:$0x13400] =	vst v63  }
0x60: {  	_ =	swait.ge [sflag:s24], $0x2000  }
0x61: {  	s6 =	rddreg [dreg:$0x5];
	[sflag:s24] =	ssyncset.done $0x0  }
0x62: {  	[sflag:s24] =	ssyncadd.s32 $0xFFFFE000;
	s4 =	sadd.s32 $0x0, s6  }
0x63: {  	[hbm4b:s4+s2] =	stream.linear.scatter [tilespmem:s28], [sflag:$0x9], $0x2000, $0x38;
	[tilespmem:$0x13400] =	vst v63  }
0x64: {  	_ =	swait.ge [sflag:s14], $0x2000  }
0x65: {  	[sflag:s14] =	ssyncset.done $0x0  }
0x66: {  	s7 =	simm.s32 $0x700;
	[sflag:s14] =	ssyncadd.s32 $0xFFFFE000  }
0x67: {  	[tilespmem:s28], [sflag:$0x7] =	stream.indirect.gather [hbm4b:s3+s15], $0x40, s7, s15, $0xb8;
	[tilespmem:$0x13400] =	vst v63  }
0x68: {  	_ =	swait.ge [sflag:s26], $0x2000  }
0x69: {  	s8 =	rddreg [dreg:$0x4];
	[sflag:s26] =	ssyncset.done $0x0  }
0x6a: {  	[sflag:s26] =	ssyncadd.s32 $0xFFFFE000;
	s4 =	sadd.s32 $0x0, s8  }
0x6b: {  	[hbm4b:s4+s2] =	stream.linear.scatter [tilespmem:s30], [sflag:$0x9], $0x2000, $0x38;
	[tilespmem:$0x13400] =	vst v63  }
0x6c: {  	_ =	swait.ge [sflag:s14], $0x2000  }
0x6d: {  	s5 =	simm.s32 $0x2000;
	[sflag:s14] =	ssyncset.done $0x0  }
0x6e: {  	s6 =	simm.s32 $0xB80;
	s4 =	simm.s32 $0x780;
	[sflag:s14] =	ssyncadd.s32 $0xFFFFE000  }
.LBB2_2:
0x6f: {  	[tilespmem:s30], [sflag:$0x8] =	stream.indirect.gather [hbm4b:s3+s15], $0x40, s4, s15, $0xb8;
	[tilespmem:$0x13400] =	vst v63  }
0x70: {  	_ =	swait.ge [sflag:s31], $0x2000  }
0x71: {  	s7 =	smov.u32 s5;
	s8 =	rddreg [dreg:$0x3];
	[sflag:s31] =	ssyncset.done $0x0  }
0x72: {  	[sflag:s31] =	ssyncadd.s32 $0xFFFFE000;
	s8 =	sadd.s32 s7, s8  }
0x73: {  	[hbm4b:s8+s2] =	stream.linear.scatter [tilespmem:s16], [sflag:$0x9], $0x2000, $0x38;
	[tilespmem:$0x13400] =	vst v63  }
0x74: {  	_ =	swait.ge [sflag:s14], $0x2000  }
0x75: {  	[sflag:s14] =	ssyncset.done $0x0  }
0x76: {  	s8 =	sadd.s32 $0xFFFFFC80, s6;
	[sflag:s14] =	ssyncadd.s32 $0xFFFFE000  }
0x77: {  	[tilespmem:s16], [sflag:$0x1] =	stream.indirect.gather [hbm4b:s3+s15], $0x40, s8, s15, $0xb8;
	[tilespmem:$0x13400] =	vst v63  }
0x78: {  	_ =	swait.ge [sflag:s1], $0x2000  }
0x79: {  	s8 =	rddreg [dreg:$0xa];
	[sflag:s1] =	ssyncset.done $0x0  }
0x7a: {  	[sflag:s1] =	ssyncadd.s32 $0xFFFFE000;
	s8 =	sadd.s32 s7, s8  }
0x7b: {  	[hbm4b:s8+s2] =	stream.linear.scatter [tilespmem:s17], [sflag:$0x9], $0x2000, $0x38;
	[tilespmem:$0x13400] =	vst v63  }
0x7c: {  	_ =	swait.ge [sflag:s14], $0x2000  }
0x7d: {  	[sflag:s14] =	ssyncset.done $0x0  }
0x7e: {  	s8 =	sadd.s32 $0xFFFFFD00, s6;
	[sflag:s14] =	ssyncadd.s32 $0xFFFFE000  }
0x7f: {  	[tilespmem:s17], [sflag:$0x2] =	stream.indirect.gather [hbm4b:s3+s15], $0x40, s8, s15, $0xb8;
	[tilespmem:$0x13400] =	vst v63  }
0x80: {  	_ =	swait.ge [sflag:s0], $0x2000  }
0x81: {  	s8 =	rddreg [dreg:$0x9];
	[sflag:s0] =	ssyncset.done $0x0  }
0x82: {  	[sflag:s0] =	ssyncadd.s32 $0xFFFFE000;
	s8 =	sadd.s32 s7, s8  }
0x83: {  	[hbm4b:s8+s2] =	stream.linear.scatter [tilespmem:s19], [sflag:$0x9], $0x2000, $0x38;
	[tilespmem:$0x13400] =	vst v63  }
0x84: {  	_ =	swait.ge [sflag:s14], $0x2000  }
0x85: {  	[sflag:s14] =	ssyncset.done $0x0  }
0x86: {  	s8 =	sadd.s32 $0xFFFFFD80, s6;
	[sflag:s14] =	ssyncadd.s32 $0xFFFFE000  }
0x87: {  	[tilespmem:s19], [sflag:$0x3] =	stream.indirect.gather [hbm4b:s3+s15], $0x40, s8, s15, $0xb8;
	[tilespmem:$0x13400] =	vst v63  }
0x88: {  	_ =	swait.ge [sflag:s18], $0x2000  }
0x89: {  	s8 =	rddreg [dreg:$0x8];
	[sflag:s18] =	ssyncset.done $0x0  }
0x8a: {  	[sflag:s18] =	ssyncadd.s32 $0xFFFFE000;
	s8 =	sadd.s32 s7, s8  }
0x8b: {  	[hbm4b:s8+s2] =	stream.linear.scatter [tilespmem:s21], [sflag:$0x9], $0x2000, $0x38;
	[tilespmem:$0x13400] =	vst v63  }
0x8c: {  	_ =	swait.ge [sflag:s14], $0x2000  }
0x8d: {  	[sflag:s14] =	ssyncset.done $0x0  }
0x8e: {  	s8 =	sadd.s32 $0xFFFFFE00, s6;
	[sflag:s14] =	ssyncadd.s32 $0xFFFFE000  }
0x8f: {  	[tilespmem:s21], [sflag:$0x4] =	stream.indirect.gather [hbm4b:s3+s15], $0x40, s8, s15, $0xb8;
	[tilespmem:$0x13400] =	vst v63  }
0x90: {  	_ =	swait.ge [sflag:s20], $0x2000  }
0x91: {  	s8 =	rddreg [dreg:$0x7];
	[sflag:s20] =	ssyncset.done $0x0  }
0x92: {  	[sflag:s20] =	ssyncadd.s32 $0xFFFFE000;
	s8 =	sadd.s32 s7, s8  }
0x93: {  	[hbm4b:s8+s2] =	stream.linear.scatter [tilespmem:s23], [sflag:$0x9], $0x2000, $0x38;
	[tilespmem:$0x13400] =	vst v63  }
0x94: {  	_ =	swait.ge [sflag:s14], $0x2000  }
0x95: {  	[sflag:s14] =	ssyncset.done $0x0  }
0x96: {  	s8 =	sadd.s32 $0xFFFFFE80, s6;
	[sflag:s14] =	ssyncadd.s32 $0xFFFFE000  }
0x97: {  	[tilespmem:s23], [sflag:$0x5] =	stream.indirect.gather [hbm4b:s3+s15], $0x40, s8, s15, $0xb8;
	[tilespmem:$0x13400] =	vst v63  }
0x98: {  	_ =	swait.ge [sflag:s22], $0x2000  }
0x99: {  	s8 =	rddreg [dreg:$0x6];
	[sflag:s22] =	ssyncset.done $0x0  }
0x9a: {  	[sflag:s22] =	ssyncadd.s32 $0xFFFFE000;
	s8 =	sadd.s32 s7, s8  }
0x9b: {  	[hbm4b:s8+s2] =	stream.linear.scatter [tilespmem:s25], [sflag:$0x9], $0x2000, $0x38;
	[tilespmem:$0x13400] =	vst v63  }
0x9c: {  	_ =	swait.ge [sflag:s14], $0x2000  }
0x9d: {  	[sflag:s14] =	ssyncset.done $0x0  }
0x9e: {  	s8 =	sadd.s32 $0xFFFFFF00, s6;
	[sflag:s14] =	ssyncadd.s32 $0xFFFFE000  }
0x9f: {  	[tilespmem:s25], [sflag:$0x6] =	stream.indirect.gather [hbm4b:s3+s15], $0x40, s8, s15, $0xb8;
	[tilespmem:$0x13400] =	vst v63  }
0xa0: {  	_ =	swait.ge [sflag:s24], $0x2000  }
0xa1: {  	s8 =	rddreg [dreg:$0x5];
	[sflag:s24] =	ssyncset.done $0x0  }
0xa2: {  	[sflag:s24] =	ssyncadd.s32 $0xFFFFE000;
	s8 =	sadd.s32 s7, s8  }
0xa3: {  	[hbm4b:s8+s2] =	stream.linear.scatter [tilespmem:s28], [sflag:$0x9], $0x2000, $0x38;
	[tilespmem:$0x13400] =	vst v63  }
0xa4: {  	_ =	swait.ge [sflag:s14], $0x2000  }
0xa5: {  	[sflag:s14] =	ssyncset.done $0x0  }
0xa6: {  	s8 =	sadd.s32 $0xFFFFFF80, s6;
	[sflag:s14] =	ssyncadd.s32 $0xFFFFE000  }
0xa7: {  	[tilespmem:s28], [sflag:$0x7] =	stream.indirect.gather [hbm4b:s3+s15], $0x40, s8, s15, $0xb8;
	[tilespmem:$0x13400] =	vst v63  }
0xa8: {  	_ =	swait.ge [sflag:s26], $0x2000  }
0xa9: {  	p0 =	sne.s32 s5, $0x16000;
	s8 =	rddreg [dreg:$0x4];
	[sflag:s26] =	ssyncset.done $0x0  }
.Ltmp0:
0xaa: {  	[sflag:s26] =	ssyncadd.s32 $0xFFFFE000;
	s7 =	sadd.s32 s7, s8;
	(pc) =	sbr.rel @p0 .LBB2_2-.Ltmp0, $4  }
0xab: {  	[hbm4b:s7+s2] =	stream.linear.scatter [tilespmem:s30], [sflag:$0x9], $0x2000, $0x38;
	[tilespmem:$0x13400] =	vst v63  }
0xac: {  	_ =	swait.ge [sflag:s14], $0x2000  }
0xad: {  	s4 =	smov.u32 s6;
	[sflag:s14] =	ssyncset.done $0x0  }
0xae: {  	s5 =	sadd.s32 $0x2000, s5;
	s6 =	sadd.s32 $0x400, s6;
	[sflag:s14] =	ssyncadd.s32 $0xFFFFE000  }
0xaf: {  	[tilespmem:s30], [sflag:$0x8] =	stream.indirect.gather [hbm4b:s3+s15], $0x40, s4, s15, $0xb8;
	[tilespmem:$0x13400] =	vst v63  }
0xb0: {  	_ =	swait.ge [sflag:s31], $0x2000  }
0xb1: {  	[sflag:s31] =	ssyncset.done $0x0  }
0xb2: {  	s5 =	rddreg [dreg:$0xc];
	[sflag:s31] =	ssyncadd.s32 $0xFFFFE000  }
0xb3: {  	[hbm4b:s5+s2] =	stream.linear.scatter [tilespmem:s16], [sflag:$0x9], $0x2000, $0x38;
	[tilespmem:$0x13400] =	vst v63  }
0xb4: {  	_ =	swait.ge [sflag:s14], $0x2000  }
0xb5: {  	[sflag:s14] =	ssyncset.done $0x0  }
0xb6: {  	[sflag:s14] =	ssyncadd.s32 $0xFFFFE000  }
0xb7: {  	_ =	swait.ge [sflag:s1], $0x2000  }
0xb8: {  	[sflag:s1] =	ssyncset.done $0x0  }
0xb9: {  	s6 =	rddreg [dreg:$0xd];
	[sflag:s1] =	ssyncadd.s32 $0xFFFFE000  }
0xba: {  	[hbm4b:s6+s2] =	stream.linear.scatter [tilespmem:s17], [sflag:$0x9], $0x2000, $0x38;
	[tilespmem:$0x13400] =	vst v63  }
0xbb: {  	_ =	swait.ge [sflag:s14], $0x2000  }
0xbc: {  	[sflag:s14] =	ssyncset.done $0x0  }
0xbd: {  	[sflag:s14] =	ssyncadd.s32 $0xFFFFE000  }
0xbe: {  	_ =	swait.ge [sflag:s0], $0x2000  }
0xbf: {  	[sflag:s0] =	ssyncset.done $0x0  }
0xc0: {  	s7 =	rddreg [dreg:$0xe];
	[sflag:s0] =	ssyncadd.s32 $0xFFFFE000  }
0xc1: {  	[hbm4b:s7+s2] =	stream.linear.scatter [tilespmem:s19], [sflag:$0x9], $0x2000, $0x38;
	[tilespmem:$0x13400] =	vst v63  }
0xc2: {  	_ =	swait.ge [sflag:s14], $0x2000  }
0xc3: {  	[sflag:s14] =	ssyncset.done $0x0  }
0xc4: {  	[sflag:s14] =	ssyncadd.s32 $0xFFFFE000  }
0xc5: {  	_ =	swait.ge [sflag:s18], $0x2000  }
0xc6: {  	[sflag:s18] =	ssyncset.done $0x0  }
0xc7: {  	s8 =	rddreg [dreg:$0xf];
	[sflag:s18] =	ssyncadd.s32 $0xFFFFE000  }
0xc8: {  	[hbm4b:s8+s2] =	stream.linear.scatter [tilespmem:s21], [sflag:$0x9], $0x2000, $0x38;
	[tilespmem:$0x13400] =	vst v63  }
0xc9: {  	_ =	swait.ge [sflag:s14], $0x2000  }
0xca: {  	[sflag:s14] =	ssyncset.done $0x0  }
0xcb: {  	[sflag:s14] =	ssyncadd.s32 $0xFFFFE000  }
0xcc: {  	_ =	swait.ge [sflag:s20], $0x2000  }
0xcd: {  	[sflag:s20] =	ssyncset.done $0x0  }
0xce: {  	[sflag:s20] =	ssyncadd.s32 $0xFFFFE000  }
0xcf: {  	[hbm4b:s9+s2] =	stream.linear.scatter [tilespmem:s23], [sflag:$0x9], $0x2000, $0x38;
	[tilespmem:$0x13400] =	vst v63  }
0xd0: {  	_ =	swait.ge [sflag:s14], $0x2000  }
0xd1: {  	[sflag:s14] =	ssyncset.done $0x0  }
0xd2: {  	[sflag:s14] =	ssyncadd.s32 $0xFFFFE000  }
0xd3: {  	_ =	swait.ge [sflag:s22], $0x2000  }
0xd4: {  	[sflag:s22] =	ssyncset.done $0x0  }
0xd5: {  	[sflag:s22] =	ssyncadd.s32 $0xFFFFE000  }
0xd6: {  	[hbm4b:s10+s2] =	stream.linear.scatter [tilespmem:s25], [sflag:$0x9], $0x2000, $0x38;
	[tilespmem:$0x13400] =	vst v63  }
0xd7: {  	_ =	swait.ge [sflag:s14], $0x2000  }
0xd8: {  	[sflag:s14] =	ssyncset.done $0x0  }
0xd9: {  	[sflag:s14] =	ssyncadd.s32 $0xFFFFE000  }
0xda: {  	_ =	swait.ge [sflag:s24], $0x2000  }
0xdb: {  	[sflag:s24] =	ssyncset.done $0x0  }
0xdc: {  	[sflag:s24] =	ssyncadd.s32 $0xFFFFE000  }
0xdd: {  	[hbm4b:s11+s2] =	stream.linear.scatter [tilespmem:s28], [sflag:$0x9], $0x2000, $0x38;
	[tilespmem:$0x13400] =	vst v63  }
0xde: {  	_ =	swait.ge [sflag:s14], $0x2000  }
0xdf: {  	[sflag:s14] =	ssyncset.done $0x0  }
0xe0: {  	[sflag:s14] =	ssyncadd.s32 $0xFFFFE000  }
0xe1: {  	s29 =	sadd.s32 $0x1, s29;
	_ =	swait.ge [sflag:s26], $0x2000  }
0xe2: {  	p0 =	sne.s32 s29, s13;
	[sflag:s26] =	ssyncset.done $0x0  }
.Ltmp1:
0xe3: {  	[sflag:s26] =	ssyncadd.s32 $0xFFFFE000;
	(pc) =	sbr.rel @p0 .LBB2_1-.Ltmp1, $4  }
0xe4: {  	[hbm4b:s12+s2] =	stream.linear.scatter [tilespmem:s30], [sflag:$0x9], $0x2000, $0x38;
	[tilespmem:$0x13400] =	vst v63  }
0xe5: {  	_ =	swait.ge [sflag:s14], $0x2000  }
0xe6: {  	[sflag:s14] =	ssyncset.done $0x0  }
0xe7: {  	[sflag:s14] =	ssyncadd.s32 $0xFFFFE000  }
0xe8: {  	_ =	sfence.sel $0x180000  }
0xe9: {  	[bflag:$0x0] =	sbarrier.arrive $0xFFFF  }
0xea: {  	_ =	strace $0x90000047  }
0xeb: {  	s0 =	stileid.u32;
	[bflag:$0x2] =	sbarrier.arrive $0xFFFF  }
0xec: {  	p0 =	sne.s32 s0, $0x0;
	s0 =	rddreg [dreg:$0x2]  }
0xed: {  	s0 =	sadd.s32 @!p0 $0x100000, s0  }
0xee: {  	[sflag:s0] =	ssyncadd.tile.s32 @!p0 $0x1;
	_ =	shalt  }
.Lfunc_end2:
_tile_overlayer_lowered:
.L_overlay_start_2:
0xef: {  	(tag) =	ssettag $0x2  }
0xf0: {  	s0 =	rddreg [dreg:$0x0];
	s2 =	stileid.u32  }
0xf1: {  	s1 =	rddreg [dreg:$0x1];
	p0 =	sne.s32 s2, $0x0  }
0xf2: {  	s3 =	rddreg [dreg:$0x2];
	[bflag:$0x3] =	sbarrier.arrive $0xFFFF;
	s2 =	simm.s32 @!p0 $0x1C09  }
0xf3: {  	[timem:s3], [sflag:s2] =	dma.local @!p0 [hbm:s0], s1  }
0xf4: {  	s0 =	simm.s32 @!p0 $0x9  }
0xf5: {  	_ =	swait.ge @!p0 [sflag:s0], s1  }
0xf6: {  	s1 =	ssub.s32 @!p0 $0x0, s1;
	[sflag:s0] =	ssyncset.done @!p0 $0x0  }
0xf7: {  	[sflag:s0] =	ssyncadd.s32 @!p0 s1  }
0xf8: {  	[bflag:$0x3] =	sbarrier.arrive $0xFFFF  }
0xf9: {  	_ =	shalt  }

// kernel: sparse-core-data-format-call.cloned.1.call-start
scs
called_computation_lowered:
.L_overlay_start_0:
0x0: {  	s2 =	sld [smem:$0x3FD9]  }
0x1: {  	s3 =	sld [smem:$0x3FFE];
	_ =	sdelay $0x1  }
0x2: {  	s1 =	srdreg.scid  }
0x3: {  	s0 =	sand.u32 $0x1, s1  }
0x4: {  	s18 =	sshll.u32 s0, $0xA;
	s2 =	sadd.s32 s3, s2  }
0x5: {  	s2 =	sadd.s32 s2, s18  }
0x6: {  	[smem:$0x3FC6] =	sst s2  }
0x7: {  	_ = 	snop  }
0x8: {  	s2 =	sld [smem:$0x3FD0];
	(tm) =	ssettm $0x1  }
0x9: {  	s19 =	sld [smem:$0x3FFB];
	_ =	sdelay $0x3  }
0xa: {  	_ =	strace s19  }
0xb: {  	s3 =	sld [smem:$0x3FFC];
	_ =	sdelay $0x3  }
0xc: {  	_ =	strace s3  }
0xd: {  	s3 =	sld [smem:$0x3FFD];
	_ =	sdelay $0x3  }
0xe: {  	_ =	strace s3  }
0xf: {  	_ =	strace $0x8FFFFFFF  }
0x10: {  	s20 =	sld [smem:$0x3FDB];
	_ =	sdelay $0x1  }
0x11: {  	s4 =	simm.s32 $_scs_section_size  }
0x12: {  	s5 =	simm.s32 $_size__tile_overlayer_lowered;
	s6 =	simm.s32 $_tile_overlayer_lowered  }
0x13: {  	s23 =	simm.s32 $0x1BFF;
	s22 =	sshll.u32 s6, $0x1;
	s3 =	sadd.s32 s4, s20  }
0x14: {  	s7 =	simm.s32 $0x0;
	s21 =	sshll.u32 s5, $0x1;
	s5 =	sadd.s32 s22, s3  }
0x15: {  	[timem:s7], [sflag:s23] =	dma.local [hbm:s5], s21  }
0x16: {  	_ =	swait.ge [sflag:s23], s21  }
0x17: {  	s4 =	ssub.s32 $0x0, s21;
	[sflag:s23] =	ssyncset.done $0x0  }
0x18: {  	[sflag:s23] =	ssyncadd.s32 s4;
	_ =	sdelay $0x1  }
0x19: {  	s24 =	simm.s32 $0x1B8B  }
0x1a: {  	_ =	swait.ge [sflag:s24], $0x1  }
0x1b: {  	[sflag:s24] =	ssyncset.done $0x0  }
0x1c: {  	s26 =	simm.s32 $0x1B8E;
	s25 =	sld [smem:$0x3FFE];
	[sflag:s24] =	ssyncadd.s32 $0xFFFFFFFF  }
0x1d: {  	s27 =	simm.s32 $execute0_lowered;
	[smem:$0x3FD2] =	sst s26  }
0x1e: {  	s5 =	sshll.u32 s27, $0x1;
	_ =	strace $0x80000049;
	[dreg:$0x1] =	wrdreg $0xFFFFFFFF  }
0x1f: {  	s28 =	simm.s32 $_size_execute0_lowered;
	s3 =	sadd.s32 s3, s5;
	[dreg:$0x0] =	wrdreg $0x0  }
0x20: {  	s5 =	sshll.u32 s28, $0x1;
	[dreg:$0x2] =	wrdreg s3  }
0x21: {  	[dreg:$0x3] =	wrdreg s5  }
0x22: {  	[dreg:$0x4] =	wrdreg $0xC0  }
0x23: {  	_ =	task [dreg:s7], $0x5FFFF  }
0x24: {  	[dreg:$0x1] =	wrdreg $0xFFFFFFFF  }
0x25: {  	[dreg:$0x0] =	wrdreg $0x60  }
0x26: {  	[dreg:$0x2] =	wrdreg s25  }
0x27: {  	[dreg:$0x3] =	wrdreg s2  }
0x28: {  	[dreg:$0x4] =	wrdreg $0x9  }
0x29: {  	_ =	task.clear_ibuf [dreg:s7], $0x5FFFF;
	_ =	strace $0x90000049  }
0x2a: {  	s29 =	simm.s32 $0x9;
	_ =	strace $0x8000004B  }
0x2b: {  	_ =	swait.ge [sflag:s29], $0x1  }
0x2c: {  	[sflag:s29] =	ssyncadd.s32 $0xFFFFFFFF  }
0x2d: {  	_ =	strace $0x9000004B  }
0x2e: {  	_ =	sfence  }
0x2f: {  	s30 =	sld [smem:$0x0];
	_ =	sdelay $0x2  }
0x30: {  	s31 =	sshll.u32 s1, $0xD;
	s1 =	sshrl.u32 s1, $0x2  }
0x31: {  	s3 =	sand.u32 $0x4000, s31;
	s1 =	sadd.s32 s1, s30  }
0x32: {  	s0 =	sor.u32 s3, s0;
	s1 =	sshll.u32 s1, $0x11  }
0x33: {  	s0 =	sor.u32 s1, s0  }
0x34: {  	s0 =	sadd.s32 $0x8F2B, s0  }
0x35: {  	[sflag:s0] =	ssyncadd.remote.s32 $0x1  }
0x36: {  	_ =	sfence.sel $0xFFFF  }
0x37: {  	[dreg:$0x0] =	wrdreg $0xFFFFFFFF;
	(pc) =	sbr.abs _section_cstart, $3  }
0x38: {  	[dreg:$0x1] =	wrdreg $0xFFFFFFFF  }
0x39: {  	_ =	task.clear_ibuf [dreg:s7], $0x2FFFF;
	_ =	strace $0x9FFFFFFF  }
0x3a: {  	(tm) =	ssettm $0x7FFFFFFF  }
0x3b: {  	_ =	shalt  }
tec
execute0_lowered:
.L_overlay_start_1:
0x0: {  	(tag) =	ssettag $0x1  }
0x1: {  	s0 =	srdreg.scid  }
0x2: {  	s1 =	sshll.u32 s0, $0x4  }
0x3: {  	s0 =	stileid.u32;
	s1 =	sand.u32 $0x10, s1  }
0x4: {  	s1 =	sor.u32 s0, s1  }
0x5: {  	s6 =	rddreg [dreg:$0x0];
	s4 =	simm.s32 $0x1;
	s2 =	sshll.u32 s1, $0x7  }
0x6: {  	s7 =	simm.s32 $0x2;
	s12 =	simm.s32 $0x0;
	s1 =	ssub.s32 $0x4000, s2  }
0x7: {  	s8 =	simm.s32 $0x20000;
	s13 =	simm.s32 $0x0;
	s3 =	sand.u32 $0xF80, s1  }
0x8: {  	s9 =	simm.s32 $0x0;
	s5 =	sshrl.u32 s1, $0xC;
	p0 =	sne.s32 s3, $0x0  }
.Ltmp0:
0x9: {  	s1 =	rddreg [dreg:$0x2];
	s4 =	simm.s32 @!p0 $0x0;
	(pc) =	sbr.rel .LBB1_1-.Ltmp0, $4  }
0xa: {  	s11 =	simm.s32 $0x0;
	s3 =	rddreg [dreg:$0x1];
	s5 =	sadd.s32 s4, s5  }
0xb: {  	_ =	strace $0x8000004A;
	s4 =	simm.s32 $0x1;
	s5 =	smul.u32 $0x1A, s5  }
0xc: {  	s6 =	sadd.s32 $0xA00, s6;
	s10 =	smov.u32 s2;
	[sflag:s4] =	ssyncpa.u1 $0x0  }
0xd: {  	p0 =	por $0x0, $0x0;
	[sflag:s7] =	ssyncpa.u1 $0x0;
	s7 =	sor.u32 $0x1, s5  }
.LBB1_4:
0xe: {  	s16 =	sshll.u32 s13, $0x3;
	s17 =	sand.u32 $0x78, s13  }
0xf: {  	s30 =	sand.u32 $0x1F800, s13;
	s12 =	sshll.u32 s12, $0x11;
	s16 =	sand.u32 $0x3C00, s16  }
0x10: {  	[tilespmem:s15+$0x810 ss:$0x81] =	vst.msk $0xffff, v2;
	s31 =	sand.u32 $0x7, s13;
	s16 =	sor.u32 s17, s16;
	s17 =	sadd.s32 s3, s30  }
0x11: {  	[tilespmem:s15+$0x1020 ss:$0x81] =	vst.msk $0xffff, v0;
	s13 =	sshll.u32 s31, $0x12;
	s12 =	sadd.s32 s12, s17;
	s16 =	sshrl.u32 s16, $0x3  }
0x12: {  	[tilespmem:s15+$0x0 ss:$0x81] =	vst.msk $0xffff, v1;
	s13 =	sor.u32 $0x400, s13;
	s12 =	sadd.s32 s16, s12  }
0x13: {  	[hbm4b:s12+s13] =	stream.strided.scatter [tilespmem:s14], [sflag:$0x2], $0x2000, s8, s13, $0x20;
	[tilespmem:$0x8080] =	vst v63  }
.LBB1_5:
0x14: {  	s14 =	sadd.s32 $0x1, s9  }
0x15: {  	s12 =	sadd.s32 $0x1000, s10;
	s16 =	smov.u32 s10;
	p2 =	sgt.s32 s14, $0x19  }
0x16: {  	s16 =	smov.u32 @p2 s12  }
0x17: {  	s14 =	simm.s32 @p2 $0x0;
	p2 =	sgt.s32 s16, $0x3FFF  }
0x18: {  	s16 =	smov.u32 @p2 s2;
	p2 =	sne.s32 s11, s7  }
.Ltmp1:
0x19: {  	p1 =	slt.u32 s11, $0x2;
	(pc) =	sbr.rel @!p2 .LBB1_6-.Ltmp1, $4  }
0x1a: {  	s15 =	simm.s32 @!p1 $0x2  }
0x1b: {  	s13 =	smov.u32 s10;
	p0 =	por !p0, !p0;
	_ =	swait.ge @!p1 [sflag:s15], $0x2000  }
0x1c: {  	s12 =	smov.u32 s9;
	[sflag:s15] =	ssyncset.done @!p1 $0x0;
	s9 =	smov.u32 s14  }
0x1d: {  	s11 =	sadd.s32 $0x1, s11;
	[sflag:s15] =	ssyncadd.s32 @!p1 $0xFFFFE000;
	s10 =	smov.u32 s16  }
.LBB1_1:
0x1e: {  	p1 =	sge.u32 s11, s5  }
0x1f: {  	s31 =	sadd.s32 $0xFFFFFFFF, s11;
	s14 =	sxor.u32 @!p1 $0xFFFFFFFF, s11  }
0x20: {  	s15 =	sshll.u32 @!p1 s10, $0x9;
	s16 =	sshll.u32 @!p1 s9, $0x4;
	s17 =	simm.s32 @!p1 $0x1000  }
0x21: {  	s14 =	sshll.u32 @!p1 s14, $0xD;
	s16 =	sand.u32 @!p1 $0x1F0, s16;
	s15 =	sadd.s32 @!p1 s6, s15  }
0x22: {  	s14 =	sand.u32 @!p1 $0x2000, s14;
	s15 =	sadd.s32 @!p1 s16, s15;
	s16 =	simm.s32 @!p1 $0x40  }
0x23: {  	[tilespmem:s14], [sflag:$0x1] =	stream.strided.gather @!p1 [hbm4b:s15+s16], $0x2000, s17, s16, $0x38;
	[tilespmem:$0x8080] =	vst v63  }
0x24: {  	p1 =	sge.u32 s31, s5  }
.Ltmp2:
0x25: {  	_ = 	snop;
	(pc) =	sbr.rel @p1 .LBB1_5-.Ltmp2, $1  }
0x26: {  	_ =	sdelay $0x3  }
0x27: {  	s14 =	simm.s32 $0x1  }
0x28: {  	_ =	swait.ge [sflag:s4], $0x2000;
	s14 =	simm.s32 @!p0 $0x0  }
0x29: {  	[sflag:s4] =	ssyncset.done $0x0;
	s15 =	sshll.u32 s14, $0xD  }
0x2a: {  	[sflag:s4] =	ssyncadd.s32 $0xFFFFE000;
	s18 =	sor.u32 $0x20, s15  }
0x2b: {  	s14 =	smul.u32 $0x8100, s14;
	v3 =	vld [tilespmem:s18+$0x10]  }
0x2c: {  	s30 =	sand.u32 $0x1, s11;
	v2 =	vld [tilespmem:s18+$0xFFFFFFF0]  }
0x2d: {  	s15 =	smul.u32 $0x8100, s30;
	s14 =	sshrl.u32 s14, $0x2;
	v0 =	vld [tilespmem:s18+$0x0]  }
0x2e: {  	v1 =	vld [tilespmem:s18+$0xFFFFFFE0];
	s16 =	sor.u32 $0x4000, s14  }
0x2f: {  	s31 =	sshrl.u32 s15, $0x2;
	s15 =	sadd.s32 $0x0, s16  }
0x30: {  	s17 =	simm.s32 $0x4;
	s18 =	sadd.s32 $0x40, s18;
	s14 =	sor.u32 $0x4000, s31;
	[tilespmem:s15+$0x1830 ss:$0x81] =	vst.msk $0xffff, v3  }
.LBB1_3:
0x31: {  	v3 =	vld [tilespmem:s18+$0x10];
	p1 =	sne.s32 s17, $0x1FC;
	[tilespmem:s15+$0x810 ss:$0x81] =	vst.msk $0xffff, v2;
	s19 =	smov.u32 s17;
	s17 =	sadd.s32 $0x4, s17  }
.Ltmp3:
0x32: {  	v2 =	vld [tilespmem:s18+$0xFFFFFFF0];
	[tilespmem:s15+$0x1020 ss:$0x81] =	vst.msk $0xffff, v0;
	(pc) =	sbr.rel @p1 .LBB1_3-.Ltmp3, $4  }
0x33: {  	v0 =	vld [tilespmem:s18+$0x0];
	[tilespmem:s15+$0x0 ss:$0x81] =	vst.msk $0xffff, v1  }
0x34: {  	s15 =	sshra.s32 s19, $0x2;
	v1 =	vld [tilespmem:s18+$0xFFFFFFE0]  }
0x35: {  	s15 =	sadd.s32 s15, s16  }
0x36: {  	s18 =	sadd.s32 $0x40, s18;
	[tilespmem:s15+$0x1830 ss:$0x81] =	vst.msk $0xffff, v3  }
.Ltmp4:
0x37: {  	_ = 	snop;
	(pc) =	sbr.rel .LBB1_4-.Ltmp4, $1  }
0x38: {  	_ =	sdelay $0x3  }
.LBB1_6:
0x39: {  	_ =	sfence.sel $0x180000  }
0x3a: {  	s2 =	simm.s32 $0x1;
	[bflag:$0x0] =	sbarrier.arrive $0xFFFF  }
0x3b: {  	s31 =	simm.s32 $0x2;
	[sflag:s2] =	ssyncpa.u1 $0x1  }
0x3c: {  	[sflag:s31] =	ssyncpa.u1 $0x1  }
0x3d: {  	p0 =	sne.s32 s0, $0x0;
	_ =	strace $0x9000004A  }
0x3e: {  	s0 =	sadd.s32 @!p0 $0x100000, s1;
	[bflag:$0x2] =	sbarrier.arrive $0xFFFF  }
0x3f: {  	[sflag:s0] =	ssyncadd.tile.s32 @!p0 $0x1;
	_ =	shalt  }
.Lfunc_end1:
_tile_overlayer_lowered:
.L_overlay_start_2:
0x40: {  	(tag) =	ssettag $0x2  }
0x41: {  	s0 =	rddreg [dreg:$0x0];
	s2 =	stileid.u32  }
0x42: {  	s1 =	rddreg [dreg:$0x1];
	p0 =	sne.s32 s2, $0x0  }
0x43: {  	s3 =	rddreg [dreg:$0x2];
	[bflag:$0x3] =	sbarrier.arrive $0xFFFF;
	s2 =	simm.s32 @!p0 $0x1C01  }
0x44: {  	[timem:s3], [sflag:s2] =	dma.local @!p0 [hbm:s0], s1  }
0x45: {  	s0 =	simm.s32 @!p0 $0x1  }
0x46: {  	_ =	swait.ge @!p0 [sflag:s0], s1  }
0x47: {  	s1 =	ssub.s32 @!p0 $0x0, s1;
	[sflag:s0] =	ssyncset.done @!p0 $0x0  }
0x48: {  	[sflag:s0] =	ssyncadd.s32 @!p0 s1  }
0x49: {  	[bflag:$0x3] =	sbarrier.arrive $0xFFFF  }
0x4a: {  	_ =	shalt  }

</sc_bundles>
